<compile_context>
chip_gen: v7x
topology: tpu7x:2x2x1
jax: 0.10.2.dev20260603
libtpu: 0.0.44.dev20260713+nightly
codegen_flags: <defaults>
</compile_context>

<pallas_src>
import functools

import jax
import jax.numpy as jnp
from jax import lax
from jax.experimental import pallas as pl
from jax.experimental.pallas import tpu as pltpu
from jax.experimental.pallas import tpu_sc as plsc

_B, _K, _C, _T = 256, 1024, 32, 8
_D = _C * _T

_HI = jax.lax.Precision.HIGHEST

_NC = 2
_NS = 16
_NW = _NC * _NS
_KPW = _K // _NW


def _vq_body(yt_ref, mt_ref, sd_ref, z_ref, mo_ref, sdo_ref):
    yt = yt_ref[:]
    mt = mt_ref[:]

    g = jax.lax.dot_general(yt, mt, (((0,), (0,)), ((), ())),
                            precision=_HI)
    mm = mt * mt
    h = _D
    while h > 1:
        h //= 2
        mm = mm[:h, :] + mm[h:, :]
    d2 = mm - 2.0 * g

    kiota = jax.lax.broadcasted_iota(jnp.int32, (_B, _K), 1)
    biota = jax.lax.broadcasted_iota(jnp.int32, (_B, _K), 0)

    dmin = jnp.min(d2, axis=1, keepdims=True)
    z2 = jnp.min(jnp.where(d2 == dmin, kiota, _K), axis=1,
                 keepdims=True)
    z_ref[:] = z2

    onehot = z2 == kiota
    iwin = jnp.max(jnp.where(onehot, biota, -1), axis=0,
                   keepdims=True)
    win = ((biota == iwin) & (iwin >= 0)).astype(jnp.float32)
    ywt = jax.lax.dot_general(yt, win, (((1,), (0,)), ((), ())),
                              precision=_HI)
    assigned = iwin >= 0

    mn = mt * 0.01 + ywt * 0.99
    mo_ref[:] = jnp.where(assigned, mn, mt)
    dlt = mn - ywt
    sdt = sd_ref[:]
    sdo_ref[:] = jnp.where(assigned, dlt * dlt * 0.01 + sdt * 0.99, sdt)


@functools.partial(
    pl.kernel,
    mesh=plsc.VectorSubcoreMesh(core_axis_name="c", subcore_axis_name="s"),
    out_type=jax.ShapeDtypeStruct((_K,), jnp.float32),
    scratch_types=[
        pltpu.VMEM((_B,), jnp.int32),
        pltpu.VMEM((_KPW,), jnp.float32),
        pltpu.VMEM((_KPW,), jnp.float32),
    ],
)
def _p_count(z_hbm, p_hbm, out_hbm, z_v, p_v, out_v):
    wid = lax.axis_index("s") * _NC + lax.axis_index("c")
    base = wid * _KPW
    pltpu.sync_copy(z_hbm, z_v)
    pltpu.sync_copy(p_hbm.at[pl.ds(base, _KPW)], p_v)
    lane = lax.broadcasted_iota(jnp.int32, (16,), 0)
    ids0 = lane + base
    ids1 = lane + (base + 16)
    zero = jnp.zeros((16,), jnp.float32)
    one = jnp.ones((16,), jnp.float32)

    def chunk_body(c, carry):
        a0, a1 = carry
        zc = z_v[pl.ds(c * 16, 16)]
        for r in range(16):
            idx = (lane + r) & 15
            zr = zc.at[idx].get(mode="promise_in_bounds")
            a0 = a0 + jnp.where(ids0 == zr, one, zero)
            a1 = a1 + jnp.where(ids1 == zr, one, zero)
        return (a0, a1)

    a0, a1 = lax.fori_loop(0, _B // 16, chunk_body, (zero, zero))
    out_v[pl.ds(0, 16)] = p_v[pl.ds(0, 16)] + a0
    out_v[pl.ds(16, 16)] = p_v[pl.ds(16, 16)] + a1
    pltpu.sync_copy(out_v, out_hbm.at[pl.ds(base, _KPW)])


def kernel(y, m, sd, p):
    yt = y.reshape(_B, _D).T
    mt = m.reshape(_K, _D).T
    sdt = sd.reshape(_K, _D).T
    z2, mo, sdo = pl.pallas_call(
        _vq_body,
        out_shape=(
            jax.ShapeDtypeStruct((_B, 1), jnp.int32),
            jax.ShapeDtypeStruct((_D, _K), jnp.float32),
            jax.ShapeDtypeStruct((_D, _K), jnp.float32),
        ),
    )(yt, mt, sdt)
    z1 = z2.reshape(_B)
    po = _p_count(z1, p)
    return (z1, mo.T.reshape(_K, _C, _T), sdo.T.reshape(_K, _C, _T), po)

# --- scband reference (transcript-rebuilt; emitter-appended) ---
"""Pipeline reference for scband-cluster-kmeans-pp-23519240913025 (READ-ONLY COPY).

The authoritative reference and input builder live on the scoring server;
editing this copy changes nothing except your own understanding.
"""

import jax, jax.numpy as jnp
import numpy as np

B, K, C, T = 256, 1024, 32, 8

def setup_inputs(seed: int = 0) -> dict:
    key = jax.random.key(seed)
    k1, k2 = jax.random.split(key)
    y = jax.random.normal(k1, (B, C, T), dtype=jnp.float32)
    m = jax.random.normal(k2, (K, C, T), dtype=jnp.float32)
    sd = jnp.ones((K, C, T), dtype=jnp.float32)
    p = jnp.zeros((K,), dtype=jnp.float32) + 1e-06
    return {"y": y, "m": m, "sd": sd, "p": p}

def reference(y, m, sd, p):
    # Faithful translation of Cluster_kmeans_pp.cluster() with vae.encoder = identity.
    # z = y.unsqueeze(1) - m.unsqueeze(0); squared distance summed over (C, T); argmin over K
    diff = y[:, None, :, :] - m[None, :, :, :]          # [B, K, C, T]
    d2 = (diff * diff).sum(axis=2).sum(axis=2)          # [B, K]
    z = jnp.argmin(d2, axis=1)                          # [B] int assignments
    # count loop: self.p[z[i]] += 1.0  -> scatter-add
    p_new = p.at[z].add(1.0)
    # self.m[z] = self.m[z] * 0.01 + y * 0.99 (scatter-overwrite)
    m_new = m.at[z].set(m[z] * 0.01 + y * 0.99)
    # self.sd[z] = (self.m[z] - y)**2 * 0.01 + self.sd[z] * 0.99 (uses updated m)
    sd_new = sd.at[z].set((m_new[z] - y) ** 2 * 0.01 + sd[z] * 0.99)
    return (z, m_new, sd_new, p_new)

if __name__ == "__main__":
    import jax
    _d = setup_inputs()
    print(jax.jit(kernel)(*tuple(_d.values())))

</pallas_src>

<mosaic_0001>
#map = affine_map<(d0, d1) -> (0)>
module attributes {stable_mosaic.version = 14 : i64} {
  func.func @_p_count(%arg0: i32, %arg1: i32, %arg2: memref<256xi32, #tpu.memory_space<hbm>>, %arg3: memref<1024xf32, #tpu.memory_space<hbm>>, %arg4: memref<1024xf32, #tpu.memory_space<hbm>>, %arg5: memref<256xi32, #tpu.memory_space<vmem>>, %arg6: memref<32xf32, #tpu.memory_space<vmem>>, %arg7: memref<32xf32, #tpu.memory_space<vmem>>) attributes {dimension_semantics = [#tpu.dimension_semantics<core_parallel>, #tpu.dimension_semantics<subcore_parallel>], iteration_bounds = array<i64: 2, 16>, scalar_prefetch = 0 : i64, scratch_operands = 3 : i64, tpu.core_type = #tpu.core_type<sc_vector_subcore>, window_params = [{transform_indices = #map}, {transform_indices = #map}, {transform_indices = #map}]} {
    %mul3A = arith.constant 2 : i32
    %mul3A_0 = arith.muli %arg1, %mul3A : i32
    %add3A = arith.addi %mul3A_0, %arg0 : i32
    %mul3A_1 = arith.constant 32 : i32
    %mul3A_2 = arith.muli %add3A, %mul3A_1 : i32
    "tpu.region"() ({
      %run_scoped3A = tpu.sem_alloc : memref<!tpu.dma_semaphore, #tpu.memory_space<semaphore_mem>>
      tpu.enqueue_dma source(%arg2 : memref<256xi32, #tpu.memory_space<hbm>>) target(%arg5 : memref<256xi32, #tpu.memory_space<vmem>>) target_semaphore(%run_scoped3A : memref<!tpu.dma_semaphore, #tpu.memory_space<semaphore_mem>>)
      tpu.wait_dma2 semaphore(%run_scoped3A : memref<!tpu.dma_semaphore, #tpu.memory_space<semaphore_mem>>) src(%arg2 : memref<256xi32, #tpu.memory_space<hbm>>) dst(%arg5 : memref<256xi32, #tpu.memory_space<vmem>>)
      tpu.yield
    }) : () -> ()
    "tpu.region"() ({
      %run_scoped3A = tpu.sem_alloc : memref<!tpu.dma_semaphore, #tpu.memory_space<semaphore_mem>>
      %dma_start3A = tpu.memref_slice %arg3[%mul3A_2] : memref<1024xf32, #tpu.memory_space<hbm>> -> memref<32xf32, #tpu.memory_space<hbm>>
      %dma_start3A_31 = tpu.memref_slice %arg3[%mul3A_2] : memref<1024xf32, #tpu.memory_space<hbm>> -> memref<32xf32, #tpu.memory_space<hbm>>
      tpu.enqueue_dma source(%dma_start3A_31 : memref<32xf32, #tpu.memory_space<hbm>>) target(%arg6 : memref<32xf32, #tpu.memory_space<vmem>>) target_semaphore(%run_scoped3A : memref<!tpu.dma_semaphore, #tpu.memory_space<semaphore_mem>>)
      %dma_wait3A = tpu.memref_slice %arg3[%mul3A_2] : memref<1024xf32, #tpu.memory_space<hbm>> -> memref<32xf32, #tpu.memory_space<hbm>>
      %dma_wait3A_32 = tpu.memref_slice %arg3[%mul3A_2] : memref<1024xf32, #tpu.memory_space<hbm>> -> memref<32xf32, #tpu.memory_space<hbm>>
      tpu.wait_dma2 semaphore(%run_scoped3A : memref<!tpu.dma_semaphore, #tpu.memory_space<semaphore_mem>>) src(%dma_wait3A_32 : memref<32xf32, #tpu.memory_space<hbm>>) dst(%arg6 : memref<32xf32, #tpu.memory_space<vmem>>)
      tpu.yield
    }) : () -> ()
    %iota3A = tpu.iota {dimensions = array<i32: 0>} : vector<16xi32>
    %add3A_3 = vector.broadcast %mul3A_2 : i32 to vector<16xi32>
    %add3A_4 = arith.addi %iota3A, %add3A_3 : vector<16xi32>
    %add3A_5 = arith.constant 16 : i32
    %add3A_6 = arith.addi %mul3A_2, %add3A_5 : i32
    %add3A_7 = vector.broadcast %add3A_6 : i32 to vector<16xi32>
    %add3A_8 = arith.addi %iota3A, %add3A_7 : vector<16xi32>
    %broadcast_in_dim3A = arith.constant 0.000000e+00 : f32
    %broadcast_in_dim3A_9 = vector.broadcast %broadcast_in_dim3A : f32 to vector<16xf32>
    %broadcast_in_dim3A_10 = arith.constant 1.000000e+00 : f32
    %broadcast_in_dim3A_11 = vector.broadcast %broadcast_in_dim3A_10 : f32 to vector<16xf32>
    %scan3A = arith.constant 0 : i32
    %scan3A_12 = arith.constant 16 : i32
    %scan3A_13 = arith.addi %scan3A, %scan3A_12 : i32
    %scan3A_14 = arith.constant 1 : i32
    %scan3A_15:2 = scf.for %scan3A_31 = %scan3A to %scan3A_13 step %scan3A_14 iter_args(%scan3A_32 = %broadcast_in_dim3A_9, %scan3A_33 = %broadcast_in_dim3A_9) -> (vector<16xf32>, vector<16xf32>)  : i32 {
      %mul3A_34 = arith.constant 16 : i32
      %mul3A_35 = arith.muli %scan3A_31, %mul3A_34 : i32
      %get3A_36 = arith.index_cast %mul3A_35 : i32 to index
      %get3A_37 = tpu.vector_load %arg5[%get3A_36] {strides = array<i32>} : memref<256xi32, #tpu.memory_space<vmem>>, vector<16xi32>,
      %get3A_38 = vector.shape_cast %get3A_37 : vector<16xi32> to vector<16xi32>
      %add3A_39 = arith.constant 0 : i32
      %add3A_40 = vector.broadcast %add3A_39 : i32 to vector<16xi32>
      %add3A_41 = arith.addi %iota3A, %add3A_40 : vector<16xi32>
      %and3A = arith.constant 15 : i32
      %and3A_42 = vector.broadcast %and3A : i32 to vector<16xi32>
      %and3A_43 = arith.andi %add3A_41, %and3A_42 : vector<16xi32>
      %lt3A = arith.constant 0 : i32
      %lt3A_44 = vector.broadcast %lt3A : i32 to vector<16xi32>
      %lt3A_45 = arith.cmpi slt, %and3A_43, %lt3A_44 : vector<16xi32>
      %add3A_46 = arith.constant 16 : i32
      %add3A_47 = vector.broadcast %add3A_46 : i32 to vector<16xi32>
      %add3A_48 = arith.addi %and3A_43, %add3A_47 : vector<16xi32>
      %select_n3A = arith.select %lt3A_45, %add3A_48, %and3A_43 : vector<16xi1>, vector<16xi32>
      %broadcast_in_dim3A_49 = vector.shape_cast %select_n3A : vector<16xi32> to vector<16x1xi32>
      %gather3A = vector.shape_cast %broadcast_in_dim3A_49 : vector<16x1xi32> to vector<16xi32>
      %gather3A_50 = tpu.dynamic_gather %get3A_38[%gather3A] in [0] : vector<16xi32>, vector<16xi32> -> vector<16xi32>
      %eq3A = arith.cmpi eq, %add3A_4, %gather3A_50 : vector<16xi32>
      %select_n3A_51 = arith.select %eq3A, %broadcast_in_dim3A_11, %broadcast_in_dim3A_9 : vector<16xi1>, vector<16xf32>
      %add3A_52 = arith.addf %scan3A_32, %select_n3A_51 : vector<16xf32>
      %eq3A_53 = arith.cmpi eq, %add3A_8, %gather3A_50 : vector<16xi32>
      %select_n3A_54 = arith.select %eq3A_53, %broadcast_in_dim3A_11, %broadcast_in_dim3A_9 : vector<16xi1>, vector<16xf32>
      %add3A_55 = arith.addf %scan3A_33, %select_n3A_54 : vector<16xf32>
      %add3A_56 = arith.constant 1 : i32
      %add3A_57 = vector.broadcast %add3A_56 : i32 to vector<16xi32>
      %add3A_58 = arith.addi %iota3A, %add3A_57 : vector<16xi32>
      %and3A_59 = arith.constant 15 : i32
      %and3A_60 = vector.broadcast %and3A_59 : i32 to vector<16xi32>
      %and3A_61 = arith.andi %add3A_58, %and3A_60 : vector<16xi32>
      %lt3A_62 = arith.constant 0 : i32
      %lt3A_63 = vector.broadcast %lt3A_62 : i32 to vector<16xi32>
      %lt3A_64 = arith.cmpi slt, %and3A_61, %lt3A_63 : vector<16xi32>
      %add3A_65 = arith.constant 16 : i32
      %add3A_66 = vector.broadcast %add3A_65 : i32 to vector<16xi32>
      %add3A_67 = arith.addi %and3A_61, %add3A_66 : vector<16xi32>
      %select_n3A_68 = arith.select %lt3A_64, %add3A_67, %and3A_61 : vector<16xi1>, vector<16xi32>
      %broadcast_in_dim3A_69 = vector.shape_cast %select_n3A_68 : vector<16xi32> to vector<16x1xi32>
      %gather3A_70 = vector.shape_cast %broadcast_in_dim3A_69 : vector<16x1xi32> to vector<16xi32>
      %gather3A_71 = tpu.dynamic_gather %get3A_38[%gather3A_70] in [0] : vector<16xi32>, vector<16xi32> -> vector<16xi32>
      %eq3A_72 = arith.cmpi eq, %add3A_4, %gather3A_71 : vector<16xi32>
      %select_n3A_73 = arith.select %eq3A_72, %broadcast_in_dim3A_11, %broadcast_in_dim3A_9 : vector<16xi1>, vector<16xf32>
      %add3A_74 = arith.addf %add3A_52, %select_n3A_73 : vector<16xf32>
      %eq3A_75 = arith.cmpi eq, %add3A_8, %gather3A_71 : vector<16xi32>
      %select_n3A_76 = arith.select %eq3A_75, %broadcast_in_dim3A_11, %broadcast_in_dim3A_9 : vector<16xi1>, vector<16xf32>
      %add3A_77 = arith.addf %add3A_55, %select_n3A_76 : vector<16xf32>
      %add3A_78 = arith.constant 2 : i32
      %add3A_79 = vector.broadcast %add3A_78 : i32 to vector<16xi32>
      %add3A_80 = arith.addi %iota3A, %add3A_79 : vector<16xi32>
      %and3A_81 = arith.constant 15 : i32
      %and3A_82 = vector.broadcast %and3A_81 : i32 to vector<16xi32>
      %and3A_83 = arith.andi %add3A_80, %and3A_82 : vector<16xi32>
      %lt3A_84 = arith.constant 0 : i32
      %lt3A_85 = vector.broadcast %lt3A_84 : i32 to vector<16xi32>
      %lt3A_86 = arith.cmpi slt, %and3A_83, %lt3A_85 : vector<16xi32>
      %add3A_87 = arith.constant 16 : i32
      %add3A_88 = vector.broadcast %add3A_87 : i32 to vector<16xi32>
      %add3A_89 = arith.addi %and3A_83, %add3A_88 : vector<16xi32>
      %select_n3A_90 = arith.select %lt3A_86, %add3A_89, %and3A_83 : vector<16xi1>, vector<16xi32>
      %broadcast_in_dim3A_91 = vector.shape_cast %select_n3A_90 : vector<16xi32> to vector<16x1xi32>
      %gather3A_92 = vector.shape_cast %broadcast_in_dim3A_91 : vector<16x1xi32> to vector<16xi32>
      %gather3A_93 = tpu.dynamic_gather %get3A_38[%gather3A_92] in [0] : vector<16xi32>, vector<16xi32> -> vector<16xi32>
      %eq3A_94 = arith.cmpi eq, %add3A_4, %gather3A_93 : vector<16xi32>
      %select_n3A_95 = arith.select %eq3A_94, %broadcast_in_dim3A_11, %broadcast_in_dim3A_9 : vector<16xi1>, vector<16xf32>
      %add3A_96 = arith.addf %add3A_74, %select_n3A_95 : vector<16xf32>
      %eq3A_97 = arith.cmpi eq, %add3A_8, %gather3A_93 : vector<16xi32>
      %select_n3A_98 = arith.select %eq3A_97, %broadcast_in_dim3A_11, %broadcast_in_dim3A_9 : vector<16xi1>, vector<16xf32>
      %add3A_99 = arith.addf %add3A_77, %select_n3A_98 : vector<16xf32>
      %add3A_100 = arith.constant 3 : i32
      %add3A_101 = vector.broadcast %add3A_100 : i32 to vector<16xi32>
      %add3A_102 = arith.addi %iota3A, %add3A_101 : vector<16xi32>
      %and3A_103 = arith.constant 15 : i32
      %and3A_104 = vector.broadcast %and3A_103 : i32 to vector<16xi32>
      %and3A_105 = arith.andi %add3A_102, %and3A_104 : vector<16xi32>
      %lt3A_106 = arith.constant 0 : i32
      %lt3A_107 = vector.broadcast %lt3A_106 : i32 to vector<16xi32>
      %lt3A_108 = arith.cmpi slt, %and3A_105, %lt3A_107 : vector<16xi32>
      %add3A_109 = arith.constant 16 : i32
      %add3A_110 = vector.broadcast %add3A_109 : i32 to vector<16xi32>
      %add3A_111 = arith.addi %and3A_105, %add3A_110 : vector<16xi32>
      %select_n3A_112 = arith.select %lt3A_108, %add3A_111, %and3A_105 : vector<16xi1>, vector<16xi32>
      %broadcast_in_dim3A_113 = vector.shape_cast %select_n3A_112 : vector<16xi32> to vector<16x1xi32>
      %gather3A_114 = vector.shape_cast %broadcast_in_dim3A_113 : vector<16x1xi32> to vector<16xi32>
      %gather3A_115 = tpu.dynamic_gather %get3A_38[%gather3A_114] in [0] : vector<16xi32>, vector<16xi32> -> vector<16xi32>
      %eq3A_116 = arith.cmpi eq, %add3A_4, %gather3A_115 : vector<16xi32>
      %select_n3A_117 = arith.select %eq3A_116, %broadcast_in_dim3A_11, %broadcast_in_dim3A_9 : vector<16xi1>, vector<16xf32>
      %add3A_118 = arith.addf %add3A_96, %select_n3A_117 : vector<16xf32>
      %eq3A_119 = arith.cmpi eq, %add3A_8, %gather3A_115 : vector<16xi32>
      %select_n3A_120 = arith.select %eq3A_119, %broadcast_in_dim3A_11, %broadcast_in_dim3A_9 : vector<16xi1>, vector<16xf32>
      %add3A_121 = arith.addf %add3A_99, %select_n3A_120 : vector<16xf32>
      %add3A_122 = arith.constant 4 : i32
      %add3A_123 = vector.broadcast %add3A_122 : i32 to vector<16xi32>
      %add3A_124 = arith.addi %iota3A, %add3A_123 : vector<16xi32>
      %and3A_125 = arith.constant 15 : i32
      %and3A_126 = vector.broadcast %and3A_125 : i32 to vector<16xi32>
      %and3A_127 = arith.andi %add3A_124, %and3A_126 : vector<16xi32>
      %lt3A_128 = arith.constant 0 : i32
      %lt3A_129 = vector.broadcast %lt3A_128 : i32 to vector<16xi32>
      %lt3A_130 = arith.cmpi slt, %and3A_127, %lt3A_129 : vector<16xi32>
      %add3A_131 = arith.constant 16 : i32
      %add3A_132 = vector.broadcast %add3A_131 : i32 to vector<16xi32>
      %add3A_133 = arith.addi %and3A_127, %add3A_132 : vector<16xi32>
      %select_n3A_134 = arith.select %lt3A_130, %add3A_133, %and3A_127 : vector<16xi1>, vector<16xi32>
      %broadcast_in_dim3A_135 = vector.shape_cast %select_n3A_134 : vector<16xi32> to vector<16x1xi32>
      %gather3A_136 = vector.shape_cast %broadcast_in_dim3A_135 : vector<16x1xi32> to vector<16xi32>
      %gather3A_137 = tpu.dynamic_gather %get3A_38[%gather3A_136] in [0] : vector<16xi32>, vector<16xi32> -> vector<16xi32>
      %eq3A_138 = arith.cmpi eq, %add3A_4, %gather3A_137 : vector<16xi32>
      %select_n3A_139 = arith.select %eq3A_138, %broadcast_in_dim3A_11, %broadcast_in_dim3A_9 : vector<16xi1>, vector<16xf32>
      %add3A_140 = arith.addf %add3A_118, %select_n3A_139 : vector<16xf32>
      %eq3A_141 = arith.cmpi eq, %add3A_8, %gather3A_137 : vector<16xi32>
      %select_n3A_142 = arith.select %eq3A_141, %broadcast_in_dim3A_11, %broadcast_in_dim3A_9 : vector<16xi1>, vector<16xf32>
      %add3A_143 = arith.addf %add3A_121, %select_n3A_142 : vector<16xf32>
      %add3A_144 = arith.constant 5 : i32
      %add3A_145 = vector.broadcast %add3A_144 : i32 to vector<16xi32>
      %add3A_146 = arith.addi %iota3A, %add3A_145 : vector<16xi32>
      %and3A_147 = arith.constant 15 : i32
      %and3A_148 = vector.broadcast %and3A_147 : i32 to vector<16xi32>
      %and3A_149 = arith.andi %add3A_146, %and3A_148 : vector<16xi32>
      %lt3A_150 = arith.constant 0 : i32
      %lt3A_151 = vector.broadcast %lt3A_150 : i32 to vector<16xi32>
      %lt3A_152 = arith.cmpi slt, %and3A_149, %lt3A_151 : vector<16xi32>
      %add3A_153 = arith.constant 16 : i32
      %add3A_154 = vector.broadcast %add3A_153 : i32 to vector<16xi32>
      %add3A_155 = arith.addi %and3A_149, %add3A_154 : vector<16xi32>
      %select_n3A_156 = arith.select %lt3A_152, %add3A_155, %and3A_149 : vector<16xi1>, vector<16xi32>
      %broadcast_in_dim3A_157 = vector.shape_cast %select_n3A_156 : vector<16xi32> to vector<16x1xi32>
      %gather3A_158 = vector.shape_cast %broadcast_in_dim3A_157 : vector<16x1xi32> to vector<16xi32>
      %gather3A_159 = tpu.dynamic_gather %get3A_38[%gather3A_158] in [0] : vector<16xi32>, vector<16xi32> -> vector<16xi32>
      %eq3A_160 = arith.cmpi eq, %add3A_4, %gather3A_159 : vector<16xi32>
      %select_n3A_161 = arith.select %eq3A_160, %broadcast_in_dim3A_11, %broadcast_in_dim3A_9 : vector<16xi1>, vector<16xf32>
      %add3A_162 = arith.addf %add3A_140, %select_n3A_161 : vector<16xf32>
      %eq3A_163 = arith.cmpi eq, %add3A_8, %gather3A_159 : vector<16xi32>
      %select_n3A_164 = arith.select %eq3A_163, %broadcast_in_dim3A_11, %broadcast_in_dim3A_9 : vector<16xi1>, vector<16xf32>
      %add3A_165 = arith.addf %add3A_143, %select_n3A_164 : vector<16xf32>
      %add3A_166 = arith.constant 6 : i32
      %add3A_167 = vector.broadcast %add3A_166 : i32 to vector<16xi32>
      %add3A_168 = arith.addi %iota3A, %add3A_167 : vector<16xi32>
      %and3A_169 = arith.constant 15 : i32
      %and3A_170 = vector.broadcast %and3A_169 : i32 to vector<16xi32>
      %and3A_171 = arith.andi %add3A_168, %and3A_170 : vector<16xi32>
      %lt3A_172 = arith.constant 0 : i32
      %lt3A_173 = vector.broadcast %lt3A_172 : i32 to vector<16xi32>
      %lt3A_174 = arith.cmpi slt, %and3A_171, %lt3A_173 : vector<16xi32>
      %add3A_175 = arith.constant 16 : i32
      %add3A_176 = vector.broadcast %add3A_175 : i32 to vector<16xi32>
      %add3A_177 = arith.addi %and3A_171, %add3A_176 : vector<16xi32>
      %select_n3A_178 = arith.select %lt3A_174, %add3A_177, %and3A_171 : vector<16xi1>, vector<16xi32>
      %broadcast_in_dim3A_179 = vector.shape_cast %select_n3A_178 : vector<16xi32> to vector<16x1xi32>
      %gather3A_180 = vector.shape_cast %broadcast_in_dim3A_179 : vector<16x1xi32> to vector<16xi32>
      %gather3A_181 = tpu.dynamic_gather %get3A_38[%gather3A_180] in [0] : vector<16xi32>, vector<16xi32> -> vector<16xi32>
      %eq3A_182 = arith.cmpi eq, %add3A_4, %gather3A_181 : vector<16xi32>
      %select_n3A_183 = arith.select %eq3A_182, %broadcast_in_dim3A_11, %broadcast_in_dim3A_9 : vector<16xi1>, vector<16xf32>
      %add3A_184 = arith.addf %add3A_162, %select_n3A_183 : vector<16xf32>
      %eq3A_185 = arith.cmpi eq, %add3A_8, %gather3A_181 : vector<16xi32>
      %select_n3A_186 = arith.select %eq3A_185, %broadcast_in_dim3A_11, %broadcast_in_dim3A_9 : vector<16xi1>, vector<16xf32>
      %add3A_187 = arith.addf %add3A_165, %select_n3A_186 : vector<16xf32>
      %add3A_188 = arith.constant 7 : i32
      %add3A_189 = vector.broadcast %add3A_188 : i32 to vector<16xi32>
      %add3A_190 = arith.addi %iota3A, %add3A_189 : vector<16xi32>
      %and3A_191 = arith.constant 15 : i32
      %and3A_192 = vector.broadcast %and3A_191 : i32 to vector<16xi32>
      %and3A_193 = arith.andi %add3A_190, %and3A_192 : vector<16xi32>
      %lt3A_194 = arith.constant 0 : i32
      %lt3A_195 = vector.broadcast %lt3A_194 : i32 to vector<16xi32>
      %lt3A_196 = arith.cmpi slt, %and3A_193, %lt3A_195 : vector<16xi32>
      %add3A_197 = arith.constant 16 : i32
      %add3A_198 = vector.broadcast %add3A_197 : i32 to vector<16xi32>
      %add3A_199 = arith.addi %and3A_193, %add3A_198 : vector<16xi32>
      %select_n3A_200 = arith.select %lt3A_196, %add3A_199, %and3A_193 : vector<16xi1>, vector<16xi32>
      %broadcast_in_dim3A_201 = vector.shape_cast %select_n3A_200 : vector<16xi32> to vector<16x1xi32>
      %gather3A_202 = vector.shape_cast %broadcast_in_dim3A_201 : vector<16x1xi32> to vector<16xi32>
      %gather3A_203 = tpu.dynamic_gather %get3A_38[%gather3A_202] in [0] : vector<16xi32>, vector<16xi32> -> vector<16xi32>
      %eq3A_204 = arith.cmpi eq, %add3A_4, %gather3A_203 : vector<16xi32>
      %select_n3A_205 = arith.select %eq3A_204, %broadcast_in_dim3A_11, %broadcast_in_dim3A_9 : vector<16xi1>, vector<16xf32>
      %add3A_206 = arith.addf %add3A_184, %select_n3A_205 : vector<16xf32>
      %eq3A_207 = arith.cmpi eq, %add3A_8, %gather3A_203 : vector<16xi32>
      %select_n3A_208 = arith.select %eq3A_207, %broadcast_in_dim3A_11, %broadcast_in_dim3A_9 : vector<16xi1>, vector<16xf32>
      %add3A_209 = arith.addf %add3A_187, %select_n3A_208 : vector<16xf32>
      %add3A_210 = arith.constant 8 : i32
      %add3A_211 = vector.broadcast %add3A_210 : i32 to vector<16xi32>
      %add3A_212 = arith.addi %iota3A, %add3A_211 : vector<16xi32>
      %and3A_213 = arith.constant 15 : i32
      %and3A_214 = vector.broadcast %and3A_213 : i32 to vector<16xi32>
      %and3A_215 = arith.andi %add3A_212, %and3A_214 : vector<16xi32>
      %lt3A_216 = arith.constant 0 : i32
      %lt3A_217 = vector.broadcast %lt3A_216 : i32 to vector<16xi32>
      %lt3A_218 = arith.cmpi slt, %and3A_215, %lt3A_217 : vector<16xi32>
      %add3A_219 = arith.constant 16 : i32
      %add3A_220 = vector.broadcast %add3A_219 : i32 to vector<16xi32>
      %add3A_221 = arith.addi %and3A_215, %add3A_220 : vector<16xi32>
      %select_n3A_222 = arith.select %lt3A_218, %add3A_221, %and3A_215 : vector<16xi1>, vector<16xi32>
      %broadcast_in_dim3A_223 = vector.shape_cast %select_n3A_222 : vector<16xi32> to vector<16x1xi32>
      %gather3A_224 = vector.shape_cast %broadcast_in_dim3A_223 : vector<16x1xi32> to vector<16xi32>
      %gather3A_225 = tpu.dynamic_gather %get3A_38[%gather3A_224] in [0] : vector<16xi32>, vector<16xi32> -> vector<16xi32>
      %eq3A_226 = arith.cmpi eq, %add3A_4, %gather3A_225 : vector<16xi32>
      %select_n3A_227 = arith.select %eq3A_226, %broadcast_in_dim3A_11, %broadcast_in_dim3A_9 : vector<16xi1>, vector<16xf32>
      %add3A_228 = arith.addf %add3A_206, %select_n3A_227 : vector<16xf32>
      %eq3A_229 = arith.cmpi eq, %add3A_8, %gather3A_225 : vector<16xi32>
      %select_n3A_230 = arith.select %eq3A_229, %broadcast_in_dim3A_11, %broadcast_in_dim3A_9 : vector<16xi1>, vector<16xf32>
      %add3A_231 = arith.addf %add3A_209, %select_n3A_230 : vector<16xf32>
      %add3A_232 = arith.constant 9 : i32
      %add3A_233 = vector.broadcast %add3A_232 : i32 to vector<16xi32>
      %add3A_234 = arith.addi %iota3A, %add3A_233 : vector<16xi32>
      %and3A_235 = arith.constant 15 : i32
      %and3A_236 = vector.broadcast %and3A_235 : i32 to vector<16xi32>
      %and3A_237 = arith.andi %add3A_234, %and3A_236 : vector<16xi32>
      %lt3A_238 = arith.constant 0 : i32
      %lt3A_239 = vector.broadcast %lt3A_238 : i32 to vector<16xi32>
      %lt3A_240 = arith.cmpi slt, %and3A_237, %lt3A_239 : vector<16xi32>
      %add3A_241 = arith.constant 16 : i32
      %add3A_242 = vector.broadcast %add3A_241 : i32 to vector<16xi32>
      %add3A_243 = arith.addi %and3A_237, %add3A_242 : vector<16xi32>
      %select_n3A_244 = arith.select %lt3A_240, %add3A_243, %and3A_237 : vector<16xi1>, vector<16xi32>
      %broadcast_in_dim3A_245 = vector.shape_cast %select_n3A_244 : vector<16xi32> to vector<16x1xi32>
      %gather3A_246 = vector.shape_cast %broadcast_in_dim3A_245 : vector<16x1xi32> to vector<16xi32>
      %gather3A_247 = tpu.dynamic_gather %get3A_38[%gather3A_246] in [0] : vector<16xi32>, vector<16xi32> -> vector<16xi32>
      %eq3A_248 = arith.cmpi eq, %add3A_4, %gather3A_247 : vector<16xi32>
      %select_n3A_249 = arith.select %eq3A_248, %broadcast_in_dim3A_11, %broadcast_in_dim3A_9 : vector<16xi1>, vector<16xf32>
      %add3A_250 = arith.addf %add3A_228, %select_n3A_249 : vector<16xf32>
      %eq3A_251 = arith.cmpi eq, %add3A_8, %gather3A_247 : vector<16xi32>
      %select_n3A_252 = arith.select %eq3A_251, %broadcast_in_dim3A_11, %broadcast_in_dim3A_9 : vector<16xi1>, vector<16xf32>
      %add3A_253 = arith.addf %add3A_231, %select_n3A_252 : vector<16xf32>
      %add3A_254 = arith.constant 10 : i32
      %add3A_255 = vector.broadcast %add3A_254 : i32 to vector<16xi32>
      %add3A_256 = arith.addi %iota3A, %add3A_255 : vector<16xi32>
      %and3A_257 = arith.constant 15 : i32
      %and3A_258 = vector.broadcast %and3A_257 : i32 to vector<16xi32>
      %and3A_259 = arith.andi %add3A_256, %and3A_258 : vector<16xi32>
      %lt3A_260 = arith.constant 0 : i32
      %lt3A_261 = vector.broadcast %lt3A_260 : i32 to vector<16xi32>
      %lt3A_262 = arith.cmpi slt, %and3A_259, %lt3A_261 : vector<16xi32>
      %add3A_263 = arith.constant 16 : i32
      %add3A_264 = vector.broadcast %add3A_263 : i32 to vector<16xi32>
      %add3A_265 = arith.addi %and3A_259, %add3A_264 : vector<16xi32>
      %select_n3A_266 = arith.select %lt3A_262, %add3A_265, %and3A_259 : vector<16xi1>, vector<16xi32>
      %broadcast_in_dim3A_267 = vector.shape_cast %select_n3A_266 : vector<16xi32> to vector<16x1xi32>
      %gather3A_268 = vector.shape_cast %broadcast_in_dim3A_267 : vector<16x1xi32> to vector<16xi32>
      %gather3A_269 = tpu.dynamic_gather %get3A_38[%gather3A_268] in [0] : vector<16xi32>, vector<16xi32> -> vector<16xi32>
      %eq3A_270 = arith.cmpi eq, %add3A_4, %gather3A_269 : vector<16xi32>
      %select_n3A_271 = arith.select %eq3A_270, %broadcast_in_dim3A_11, %broadcast_in_dim3A_9 : vector<16xi1>, vector<16xf32>
      %add3A_272 = arith.addf %add3A_250, %select_n3A_271 : vector<16xf32>
      %eq3A_273 = arith.cmpi eq, %add3A_8, %gather3A_269 : vector<16xi32>
      %select_n3A_274 = arith.select %eq3A_273, %broadcast_in_dim3A_11, %broadcast_in_dim3A_9 : vector<16xi1>, vector<16xf32>
      %add3A_275 = arith.addf %add3A_253, %select_n3A_274 : vector<16xf32>
      %add3A_276 = arith.constant 11 : i32
      %add3A_277 = vector.broadcast %add3A_276 : i32 to vector<16xi32>
      %add3A_278 = arith.addi %iota3A, %add3A_277 : vector<16xi32>
      %and3A_279 = arith.constant 15 : i32
      %and3A_280 = vector.broadcast %and3A_279 : i32 to vector<16xi32>
      %and3A_281 = arith.andi %add3A_278, %and3A_280 : vector<16xi32>
      %lt3A_282 = arith.constant 0 : i32
      %lt3A_283 = vector.broadcast %lt3A_282 : i32 to vector<16xi32>
      %lt3A_284 = arith.cmpi slt, %and3A_281, %lt3A_283 : vector<16xi32>
      %add3A_285 = arith.constant 16 : i32
      %add3A_286 = vector.broadcast %add3A_285 : i32 to vector<16xi32>
      %add3A_287 = arith.addi %and3A_281, %add3A_286 : vector<16xi32>
      %select_n3A_288 = arith.select %lt3A_284, %add3A_287, %and3A_281 : vector<16xi1>, vector<16xi32>
      %broadcast_in_dim3A_289 = vector.shape_cast %select_n3A_288 : vector<16xi32> to vector<16x1xi32>
      %gather3A_290 = vector.shape_cast %broadcast_in_dim3A_289 : vector<16x1xi32> to vector<16xi32>
      %gather3A_291 = tpu.dynamic_gather %get3A_38[%gather3A_290] in [0] : vector<16xi32>, vector<16xi32> -> vector<16xi32>
      %eq3A_292 = arith.cmpi eq, %add3A_4, %gather3A_291 : vector<16xi32>
      %select_n3A_293 = arith.select %eq3A_292, %broadcast_in_dim3A_11, %broadcast_in_dim3A_9 : vector<16xi1>, vector<16xf32>
      %add3A_294 = arith.addf %add3A_272, %select_n3A_293 : vector<16xf32>
      %eq3A_295 = arith.cmpi eq, %add3A_8, %gather3A_291 : vector<16xi32>
      %select_n3A_296 = arith.select %eq3A_295, %broadcast_in_dim3A_11, %broadcast_in_dim3A_9 : vector<16xi1>, vector<16xf32>
      %add3A_297 = arith.addf %add3A_275, %select_n3A_296 : vector<16xf32>
      %add3A_298 = arith.constant 12 : i32
      %add3A_299 = vector.broadcast %add3A_298 : i32 to vector<16xi32>
      %add3A_300 = arith.addi %iota3A, %add3A_299 : vector<16xi32>
      %and3A_301 = arith.constant 15 : i32
      %and3A_302 = vector.broadcast %and3A_301 : i32 to vector<16xi32>
      %and3A_303 = arith.andi %add3A_300, %and3A_302 : vector<16xi32>
      %lt3A_304 = arith.constant 0 : i32
      %lt3A_305 = vector.broadcast %lt3A_304 : i32 to vector<16xi32>
      %lt3A_306 = arith.cmpi slt, %and3A_303, %lt3A_305 : vector<16xi32>
      %add3A_307 = arith.constant 16 : i32
      %add3A_308 = vector.broadcast %add3A_307 : i32 to vector<16xi32>
      %add3A_309 = arith.addi %and3A_303, %add3A_308 : vector<16xi32>
      %select_n3A_310 = arith.select %lt3A_306, %add3A_309, %and3A_303 : vector<16xi1>, vector<16xi32>
      %broadcast_in_dim3A_311 = vector.shape_cast %select_n3A_310 : vector<16xi32> to vector<16x1xi32>
      %gather3A_312 = vector.shape_cast %broadcast_in_dim3A_311 : vector<16x1xi32> to vector<16xi32>
      %gather3A_313 = tpu.dynamic_gather %get3A_38[%gather3A_312] in [0] : vector<16xi32>, vector<16xi32> -> vector<16xi32>
      %eq3A_314 = arith.cmpi eq, %add3A_4, %gather3A_313 : vector<16xi32>
      %select_n3A_315 = arith.select %eq3A_314, %broadcast_in_dim3A_11, %broadcast_in_dim3A_9 : vector<16xi1>, vector<16xf32>
      %add3A_316 = arith.addf %add3A_294, %select_n3A_315 : vector<16xf32>
      %eq3A_317 = arith.cmpi eq, %add3A_8, %gather3A_313 : vector<16xi32>
      %select_n3A_318 = arith.select %eq3A_317, %broadcast_in_dim3A_11, %broadcast_in_dim3A_9 : vector<16xi1>, vector<16xf32>
      %add3A_319 = arith.addf %add3A_297, %select_n3A_318 : vector<16xf32>
      %add3A_320 = arith.constant 13 : i32
      %add3A_321 = vector.broadcast %add3A_320 : i32 to vector<16xi32>
      %add3A_322 = arith.addi %iota3A, %add3A_321 : vector<16xi32>
      %and3A_323 = arith.constant 15 : i32
      %and3A_324 = vector.broadcast %and3A_323 : i32 to vector<16xi32>
      %and3A_325 = arith.andi %add3A_322, %and3A_324 : vector<16xi32>
      %lt3A_326 = arith.constant 0 : i32
      %lt3A_327 = vector.broadcast %lt3A_326 : i32 to vector<16xi32>
      %lt3A_328 = arith.cmpi slt, %and3A_325, %lt3A_327 : vector<16xi32>
      %add3A_329 = arith.constant 16 : i32
      %add3A_330 = vector.broadcast %add3A_329 : i32 to vector<16xi32>
      %add3A_331 = arith.addi %and3A_325, %add3A_330 : vector<16xi32>
      %select_n3A_332 = arith.select %lt3A_328, %add3A_331, %and3A_325 : vector<16xi1>, vector<16xi32>
      %broadcast_in_dim3A_333 = vector.shape_cast %select_n3A_332 : vector<16xi32> to vector<16x1xi32>
      %gather3A_334 = vector.shape_cast %broadcast_in_dim3A_333 : vector<16x1xi32> to vector<16xi32>
      %gather3A_335 = tpu.dynamic_gather %get3A_38[%gather3A_334] in [0] : vector<16xi32>, vector<16xi32> -> vector<16xi32>
      %eq3A_336 = arith.cmpi eq, %add3A_4, %gather3A_335 : vector<16xi32>
      %select_n3A_337 = arith.select %eq3A_336, %broadcast_in_dim3A_11, %broadcast_in_dim3A_9 : vector<16xi1>, vector<16xf32>
      %add3A_338 = arith.addf %add3A_316, %select_n3A_337 : vector<16xf32>
      %eq3A_339 = arith.cmpi eq, %add3A_8, %gather3A_335 : vector<16xi32>
      %select_n3A_340 = arith.select %eq3A_339, %broadcast_in_dim3A_11, %broadcast_in_dim3A_9 : vector<16xi1>, vector<16xf32>
      %add3A_341 = arith.addf %add3A_319, %select_n3A_340 : vector<16xf32>
      %add3A_342 = arith.constant 14 : i32
      %add3A_343 = vector.broadcast %add3A_342 : i32 to vector<16xi32>
      %add3A_344 = arith.addi %iota3A, %add3A_343 : vector<16xi32>
      %and3A_345 = arith.constant 15 : i32
      %and3A_346 = vector.broadcast %and3A_345 : i32 to vector<16xi32>
      %and3A_347 = arith.andi %add3A_344, %and3A_346 : vector<16xi32>
      %lt3A_348 = arith.constant 0 : i32
      %lt3A_349 = vector.broadcast %lt3A_348 : i32 to vector<16xi32>
      %lt3A_350 = arith.cmpi slt, %and3A_347, %lt3A_349 : vector<16xi32>
      %add3A_351 = arith.constant 16 : i32
      %add3A_352 = vector.broadcast %add3A_351 : i32 to vector<16xi32>
      %add3A_353 = arith.addi %and3A_347, %add3A_352 : vector<16xi32>
      %select_n3A_354 = arith.select %lt3A_350, %add3A_353, %and3A_347 : vector<16xi1>, vector<16xi32>
      %broadcast_in_dim3A_355 = vector.shape_cast %select_n3A_354 : vector<16xi32> to vector<16x1xi32>
      %gather3A_356 = vector.shape_cast %broadcast_in_dim3A_355 : vector<16x1xi32> to vector<16xi32>
      %gather3A_357 = tpu.dynamic_gather %get3A_38[%gather3A_356] in [0] : vector<16xi32>, vector<16xi32> -> vector<16xi32>
      %eq3A_358 = arith.cmpi eq, %add3A_4, %gather3A_357 : vector<16xi32>
      %select_n3A_359 = arith.select %eq3A_358, %broadcast_in_dim3A_11, %broadcast_in_dim3A_9 : vector<16xi1>, vector<16xf32>
      %add3A_360 = arith.addf %add3A_338, %select_n3A_359 : vector<16xf32>
      %eq3A_361 = arith.cmpi eq, %add3A_8, %gather3A_357 : vector<16xi32>
      %select_n3A_362 = arith.select %eq3A_361, %broadcast_in_dim3A_11, %broadcast_in_dim3A_9 : vector<16xi1>, vector<16xf32>
      %add3A_363 = arith.addf %add3A_341, %select_n3A_362 : vector<16xf32>
      %add3A_364 = arith.constant 15 : i32
      %add3A_365 = vector.broadcast %add3A_364 : i32 to vector<16xi32>
      %add3A_366 = arith.addi %iota3A, %add3A_365 : vector<16xi32>
      %and3A_367 = arith.constant 15 : i32
      %and3A_368 = vector.broadcast %and3A_367 : i32 to vector<16xi32>
      %and3A_369 = arith.andi %add3A_366, %and3A_368 : vector<16xi32>
      %lt3A_370 = arith.constant 0 : i32
      %lt3A_371 = vector.broadcast %lt3A_370 : i32 to vector<16xi32>
      %lt3A_372 = arith.cmpi slt, %and3A_369, %lt3A_371 : vector<16xi32>
      %add3A_373 = arith.constant 16 : i32
      %add3A_374 = vector.broadcast %add3A_373 : i32 to vector<16xi32>
      %add3A_375 = arith.addi %and3A_369, %add3A_374 : vector<16xi32>
      %select_n3A_376 = arith.select %lt3A_372, %add3A_375, %and3A_369 : vector<16xi1>, vector<16xi32>
      %broadcast_in_dim3A_377 = vector.shape_cast %select_n3A_376 : vector<16xi32> to vector<16x1xi32>
      %gather3A_378 = vector.shape_cast %broadcast_in_dim3A_377 : vector<16x1xi32> to vector<16xi32>
      %gather3A_379 = tpu.dynamic_gather %get3A_38[%gather3A_378] in [0] : vector<16xi32>, vector<16xi32> -> vector<16xi32>
      %eq3A_380 = arith.cmpi eq, %add3A_4, %gather3A_379 : vector<16xi32>
      %select_n3A_381 = arith.select %eq3A_380, %broadcast_in_dim3A_11, %broadcast_in_dim3A_9 : vector<16xi1>, vector<16xf32>
      %add3A_382 = arith.addf %add3A_360, %select_n3A_381 : vector<16xf32>
      %eq3A_383 = arith.cmpi eq, %add3A_8, %gather3A_379 : vector<16xi32>
      %select_n3A_384 = arith.select %eq3A_383, %broadcast_in_dim3A_11, %broadcast_in_dim3A_9 : vector<16xi1>, vector<16xf32>
      %add3A_385 = arith.addf %add3A_363, %select_n3A_384 : vector<16xf32>
      scf.yield %add3A_382, %add3A_385 : vector<16xf32>, vector<16xf32>
    }
    %scan3A_16 = arith.constant 16 : i32
    %get3A = arith.constant 0 : index
    %get3A_17 = tpu.vector_load %arg6[%get3A] {strides = array<i32>} : memref<32xf32, #tpu.memory_space<vmem>>, vector<16xf32>,
    %get3A_18 = vector.shape_cast %get3A_17 : vector<16xf32> to vector<16xf32>
    %add3A_19 = arith.addf %get3A_18, %scan3A_15#0 : vector<16xf32>
    %swap3A = arith.constant 0 : index
    %swap3A_20 = tpu.vector_load %arg7[%swap3A] {strides = array<i32>} : memref<32xf32, #tpu.memory_space<vmem>>, vector<16xf32>,
    %swap3A_21 = vector.shape_cast %swap3A_20 : vector<16xf32> to vector<16xf32>
    %swap3A_22 = vector.shape_cast %add3A_19 : vector<16xf32> to vector<16xf32>
    tpu.vector_store %arg7[%swap3A], %swap3A_22 {strides = array<i32>} : memref<32xf32, #tpu.memory_space<vmem>>, vector<16xf32>,
    %get3A_23 = arith.constant 16 : index
    %get3A_24 = tpu.vector_load %arg6[%get3A_23] {strides = array<i32>} : memref<32xf32, #tpu.memory_space<vmem>>, vector<16xf32>,
    %get3A_25 = vector.shape_cast %get3A_24 : vector<16xf32> to vector<16xf32>
    %add3A_26 = arith.addf %get3A_25, %scan3A_15#1 : vector<16xf32>
    %swap3A_27 = arith.constant 16 : index
    %swap3A_28 = tpu.vector_load %arg7[%swap3A_27] {strides = array<i32>} : memref<32xf32, #tpu.memory_space<vmem>>, vector<16xf32>,
    %swap3A_29 = vector.shape_cast %swap3A_28 : vector<16xf32> to vector<16xf32>
    %swap3A_30 = vector.shape_cast %add3A_26 : vector<16xf32> to vector<16xf32>
    tpu.vector_store %arg7[%swap3A_27], %swap3A_30 {strides = array<i32>} : memref<32xf32, #tpu.memory_space<vmem>>, vector<16xf32>,
    "tpu.region"() ({
      %run_scoped3A = tpu.sem_alloc : memref<!tpu.dma_semaphore, #tpu.memory_space<semaphore_mem>>
      %dma_start3A = tpu.memref_slice %arg4[%mul3A_2] : memref<1024xf32, #tpu.memory_space<hbm>> -> memref<32xf32, #tpu.memory_space<hbm>>
      %dma_start3A_31 = tpu.memref_slice %arg4[%mul3A_2] : memref<1024xf32, #tpu.memory_space<hbm>> -> memref<32xf32, #tpu.memory_space<hbm>>
      tpu.enqueue_dma source(%arg7 : memref<32xf32, #tpu.memory_space<vmem>>) target(%dma_start3A_31 : memref<32xf32, #tpu.memory_space<hbm>>) target_semaphore(%run_scoped3A : memref<!tpu.dma_semaphore, #tpu.memory_space<semaphore_mem>>)
      %dma_wait3A = tpu.memref_slice %arg4[%mul3A_2] : memref<1024xf32, #tpu.memory_space<hbm>> -> memref<32xf32, #tpu.memory_space<hbm>>
      %dma_wait3A_32 = tpu.memref_slice %arg4[%mul3A_2] : memref<1024xf32, #tpu.memory_space<hbm>> -> memref<32xf32, #tpu.memory_space<hbm>>
      tpu.wait_dma2 semaphore(%run_scoped3A : memref<!tpu.dma_semaphore, #tpu.memory_space<semaphore_mem>>) src(%arg7 : memref<32xf32, #tpu.memory_space<vmem>>) dst(%dma_wait3A_32 : memref<32xf32, #tpu.memory_space<hbm>>)
      tpu.yield
    }) : () -> ()
    return
  }
}

module attributes {stable_mosaic.version = 14 : i64} {
  func.func @_vq_body(%arg0: memref<256x256xf32, #tpu.memory_space<vmem>>, %arg1: memref<256x1024xf32, #tpu.memory_space<vmem>>, %arg2: memref<256x1024xf32, #tpu.memory_space<vmem>>, %arg3: memref<256x1xi32, #tpu.memory_space<vmem>>, %arg4: memref<256x1024xf32, #tpu.memory_space<vmem>>, %arg5: memref<256x1024xf32, #tpu.memory_space<vmem>>) attributes {dimension_semantics = [], scalar_prefetch = 0 : i64, scratch_operands = 0 : i64, tpu.core_type = #tpu.core_type<tc>} {
    %get3A = arith.constant 0 : index
    %get3A_0 = arith.constant 0 : index
    %get3A_1 = vector.load %arg0[%get3A, %get3A_0] : memref<256x256xf32, #tpu.memory_space<vmem>>, vector<256x256xf32>
    %get3A_2 = arith.constant 0 : index
    %get3A_3 = arith.constant 0 : index
    %get3A_4 = vector.load %arg1[%get3A_2, %get3A_3] : memref<256x1024xf32, #tpu.memory_space<vmem>>, vector<256x1024xf32>
    %dot_general3A = arith.constant dense<0.000000e+00> : vector<256x1024xf32>
    %dot_general3A_5 = tpu.matmul %get3A_1, %get3A_4, %dot_general3A {dimension_numbers = #tpu.dot_dimension_numbers<[0], [0], [1], [1], [0, 1, 1, 1], [], []>, precision = #tpu.contract_precision<fp32>, transpose_lhs_hint = false} : vector<256x256xf32>, vector<256x1024xf32>, vector<256x1024xf32> -> vector<256x1024xf32>
    %mul3A = arith.mulf %get3A_4, %get3A_4 : vector<256x1024xf32>
    %slice3A = vector.extract_strided_slice %mul3A {offsets = [0, 0], sizes = [128, 1024], strides = [1, 1]} : vector<256x1024xf32> to vector<128x1024xf32>
    %slice3A_6 = vector.extract_strided_slice %mul3A {offsets = [128, 0], sizes = [128, 1024], strides = [1, 1]} : vector<256x1024xf32> to vector<128x1024xf32>
    %add3A = arith.addf %slice3A, %slice3A_6 : vector<128x1024xf32>
    %slice3A_7 = vector.extract_strided_slice %add3A {offsets = [0, 0], sizes = [64, 1024], strides = [1, 1]} : vector<128x1024xf32> to vector<64x1024xf32>
    %slice3A_8 = vector.extract_strided_slice %add3A {offsets = [64, 0], sizes = [64, 1024], strides = [1, 1]} : vector<128x1024xf32> to vector<64x1024xf32>
    %add3A_9 = arith.addf %slice3A_7, %slice3A_8 : vector<64x1024xf32>
    %slice3A_10 = vector.extract_strided_slice %add3A_9 {offsets = [0, 0], sizes = [32, 1024], strides = [1, 1]} : vector<64x1024xf32> to vector<32x1024xf32>
    %slice3A_11 = vector.extract_strided_slice %add3A_9 {offsets = [32, 0], sizes = [32, 1024], strides = [1, 1]} : vector<64x1024xf32> to vector<32x1024xf32>
    %add3A_12 = arith.addf %slice3A_10, %slice3A_11 : vector<32x1024xf32>
    %slice3A_13 = vector.extract_strided_slice %add3A_12 {offsets = [0, 0], sizes = [16, 1024], strides = [1, 1]} : vector<32x1024xf32> to vector<16x1024xf32>
    %slice3A_14 = vector.extract_strided_slice %add3A_12 {offsets = [16, 0], sizes = [16, 1024], strides = [1, 1]} : vector<32x1024xf32> to vector<16x1024xf32>
    %add3A_15 = arith.addf %slice3A_13, %slice3A_14 : vector<16x1024xf32>
    %slice3A_16 = vector.extract_strided_slice %add3A_15 {offsets = [0, 0], sizes = [8, 1024], strides = [1, 1]} : vector<16x1024xf32> to vector<8x1024xf32>
    %slice3A_17 = vector.extract_strided_slice %add3A_15 {offsets = [8, 0], sizes = [8, 1024], strides = [1, 1]} : vector<16x1024xf32> to vector<8x1024xf32>
    %add3A_18 = arith.addf %slice3A_16, %slice3A_17 : vector<8x1024xf32>
    %slice3A_19 = vector.extract_strided_slice %add3A_18 {offsets = [0, 0], sizes = [4, 1024], strides = [1, 1]} : vector<8x1024xf32> to vector<4x1024xf32>
    %slice3A_20 = vector.extract_strided_slice %add3A_18 {offsets = [4, 0], sizes = [4, 1024], strides = [1, 1]} : vector<8x1024xf32> to vector<4x1024xf32>
    %add3A_21 = arith.addf %slice3A_19, %slice3A_20 : vector<4x1024xf32>
    %slice3A_22 = vector.extract_strided_slice %add3A_21 {offsets = [0, 0], sizes = [2, 1024], strides = [1, 1]} : vector<4x1024xf32> to vector<2x1024xf32>
    %slice3A_23 = vector.extract_strided_slice %add3A_21 {offsets = [2, 0], sizes = [2, 1024], strides = [1, 1]} : vector<4x1024xf32> to vector<2x1024xf32>
    %add3A_24 = arith.addf %slice3A_22, %slice3A_23 : vector<2x1024xf32>
    %slice3A_25 = vector.extract_strided_slice %add3A_24 {offsets = [0, 0], sizes = [1, 1024], strides = [1, 1]} : vector<2x1024xf32> to vector<1x1024xf32>
    %slice3A_26 = vector.extract_strided_slice %add3A_24 {offsets = [1, 0], sizes = [1, 1024], strides = [1, 1]} : vector<2x1024xf32> to vector<1x1024xf32>
    %add3A_27 = arith.addf %slice3A_25, %slice3A_26 : vector<1x1024xf32>
    %mul3A_28 = arith.constant 2.000000e+00 : f32
    %mul3A_29 = vector.broadcast %mul3A_28 : f32 to vector<256x1024xf32>
    %mul3A_30 = arith.mulf %mul3A_29, %dot_general3A_5 : vector<256x1024xf32>
    %sub3A = vector.broadcast %add3A_27 : vector<1x1024xf32> to vector<256x1024xf32>
    %sub3A_31 = arith.subf %sub3A, %mul3A_30 : vector<256x1024xf32>
    %iota3A = tpu.iota {dimensions = array<i32: 1>} : vector<256x1024xi32>
    %iota3A_32 = tpu.iota {dimensions = array<i32: 0>} : vector<256x1024xi32>
    %reduce_min3A = arith.constant dense<0x7F800000> : vector<256xf32>
    %reduce_min3A_33 = vector.multi_reduction <minimumf>, %sub3A_31, %reduce_min3A [1] : vector<256x1024xf32> to vector<256xf32>
    %broadcast_in_dim3A = vector.shape_cast %reduce_min3A_33 : vector<256xf32> to vector<256x1xf32>
    %eq3A = vector.broadcast %broadcast_in_dim3A : vector<256x1xf32> to vector<256x1024xf32>
    %eq3A_34 = arith.cmpf oeq, %sub3A_31, %eq3A : vector<256x1024xf32>
    %jit3A = arith.constant 1024 : i32
    %broadcast_in_dim3A_35 = vector.broadcast %jit3A : i32 to vector<256x1024xi32>
    %select_n3A = arith.select %eq3A_34, %iota3A, %broadcast_in_dim3A_35 : vector<256x1024xi1>, vector<256x1024xi32>
    %reduce_min3A_36 = arith.constant dense<2147483647> : vector<256xi32>
    %reduce_min3A_37 = vector.multi_reduction <minsi>, %select_n3A, %reduce_min3A_36 [1] : vector<256x1024xi32> to vector<256xi32>
    %broadcast_in_dim3A_38 = vector.shape_cast %reduce_min3A_37 : vector<256xi32> to vector<256x1xi32>
    %swap3A = arith.constant 0 : index
    %swap3A_39 = arith.constant 0 : index
    %swap3A_40 = vector.load %arg3[%swap3A, %swap3A_39] : memref<256x1xi32, #tpu.memory_space<vmem>>, vector<256x1xi32>
    tpu.vector_store %arg3[%swap3A, %swap3A_39], %broadcast_in_dim3A_38 {strides = array<i32>} : memref<256x1xi32, #tpu.memory_space<vmem>>, vector<256x1xi32>,
    %eq3A_41 = vector.broadcast %broadcast_in_dim3A_38 : vector<256x1xi32> to vector<256x1024xi32>
    %eq3A_42 = arith.cmpi eq, %eq3A_41, %iota3A : vector<256x1024xi32>
    %jit3A_43 = arith.constant -1 : i32
    %broadcast_in_dim3A_44 = vector.broadcast %jit3A_43 : i32 to vector<256x1024xi32>
    %select_n3A_45 = arith.select %eq3A_42, %iota3A_32, %broadcast_in_dim3A_44 : vector<256x1024xi1>, vector<256x1024xi32>
    %reduce_max3A = arith.constant dense<-2147483648> : vector<1024xi32>
    %reduce_max3A_46 = vector.multi_reduction <maxsi>, %select_n3A_45, %reduce_max3A [0] : vector<256x1024xi32> to vector<1024xi32>
    %broadcast_in_dim3A_47 = vector.shape_cast %reduce_max3A_46 : vector<1024xi32> to vector<1x1024xi32>
    %eq3A_48 = vector.broadcast %broadcast_in_dim3A_47 : vector<1x1024xi32> to vector<256x1024xi32>
    %eq3A_49 = arith.cmpi eq, %iota3A_32, %eq3A_48 : vector<256x1024xi32>
    %ge3A = arith.constant 0 : i32
    %ge3A_50 = vector.broadcast %ge3A : i32 to vector<1x1024xi32>
    %ge3A_51 = arith.cmpi sge, %broadcast_in_dim3A_47, %ge3A_50 : vector<1x1024xi32>
    %and3A = vector.broadcast %ge3A_51 : vector<1x1024xi1> to vector<256x1024xi1>
    %and3A_52 = arith.andi %eq3A_49, %and3A : vector<256x1024xi1>
    %convert_element_type3A = arith.extui %and3A_52 : vector<256x1024xi1> to vector<256x1024xi32>
    %convert_element_type3A_53 = arith.sitofp %convert_element_type3A : vector<256x1024xi32> to vector<256x1024xf32>
    %dot_general3A_54 = arith.constant dense<0.000000e+00> : vector<256x1024xf32>
    %dot_general3A_55 = tpu.matmul %get3A_1, %convert_element_type3A_53, %dot_general3A_54 {dimension_numbers = #tpu.dot_dimension_numbers<[1], [0], [0], [1], [0, 0, 1, 1], [], []>, precision = #tpu.contract_precision<fp32>, transpose_lhs_hint = false} : vector<256x256xf32>, vector<256x1024xf32>, vector<256x1024xf32> -> vector<256x1024xf32>
    %ge3A_56 = arith.constant 0 : i32
    %ge3A_57 = vector.broadcast %ge3A_56 : i32 to vector<1x1024xi32>
    %ge3A_58 = arith.cmpi sge, %broadcast_in_dim3A_47, %ge3A_57 : vector<1x1024xi32>
    %mul3A_59 = arith.constant 0.00999999977 : f32
    %mul3A_60 = vector.broadcast %mul3A_59 : f32 to vector<256x1024xf32>
    %mul3A_61 = arith.mulf %get3A_4, %mul3A_60 : vector<256x1024xf32>
    %mul3A_62 = arith.constant 9.900000e-01 : f32
    %mul3A_63 = vector.broadcast %mul3A_62 : f32 to vector<256x1024xf32>
    %mul3A_64 = arith.mulf %dot_general3A_55, %mul3A_63 : vector<256x1024xf32>
    %add3A_65 = arith.addf %mul3A_61, %mul3A_64 : vector<256x1024xf32>
    %broadcast_in_dim3A_66 = vector.shape_cast %ge3A_58 : vector<1x1024xi1> to vector<1x1024xi1>
    %broadcast_in_dim3A_67 = vector.broadcast %broadcast_in_dim3A_66 : vector<1x1024xi1> to vector<256x1024xi1>
    %select_n3A_68 = arith.select %broadcast_in_dim3A_67, %add3A_65, %get3A_4 : vector<256x1024xi1>, vector<256x1024xf32>
    %swap3A_69 = arith.constant 0 : index
    %swap3A_70 = arith.constant 0 : index
    %swap3A_71 = vector.load %arg4[%swap3A_69, %swap3A_70] : memref<256x1024xf32, #tpu.memory_space<vmem>>, vector<256x1024xf32>
    tpu.vector_store %arg4[%swap3A_69, %swap3A_70], %select_n3A_68 {strides = array<i32>} : memref<256x1024xf32, #tpu.memory_space<vmem>>, vector<256x1024xf32>,
    %sub3A_72 = arith.subf %add3A_65, %dot_general3A_55 : vector<256x1024xf32>
    %get3A_73 = arith.constant 0 : index
    %get3A_74 = arith.constant 0 : index
    %get3A_75 = vector.load %arg2[%get3A_73, %get3A_74] : memref<256x1024xf32, #tpu.memory_space<vmem>>, vector<256x1024xf32>
    %mul3A_76 = arith.mulf %sub3A_72, %sub3A_72 : vector<256x1024xf32>
    %mul3A_77 = arith.constant 0.00999999977 : f32
    %mul3A_78 = vector.broadcast %mul3A_77 : f32 to vector<256x1024xf32>
    %mul3A_79 = arith.mulf %mul3A_76, %mul3A_78 : vector<256x1024xf32>
    %mul3A_80 = arith.constant 9.900000e-01 : f32
    %mul3A_81 = vector.broadcast %mul3A_80 : f32 to vector<256x1024xf32>
    %mul3A_82 = arith.mulf %get3A_75, %mul3A_81 : vector<256x1024xf32>
    %add3A_83 = arith.addf %mul3A_79, %mul3A_82 : vector<256x1024xf32>
    %broadcast_in_dim3A_84 = vector.shape_cast %ge3A_58 : vector<1x1024xi1> to vector<1x1024xi1>
    %broadcast_in_dim3A_85 = vector.broadcast %broadcast_in_dim3A_84 : vector<1x1024xi1> to vector<256x1024xi1>
    %select_n3A_86 = arith.select %broadcast_in_dim3A_85, %add3A_83, %get3A_75 : vector<256x1024xi1>, vector<256x1024xf32>
    %swap3A_87 = arith.constant 0 : index
    %swap3A_88 = arith.constant 0 : index
    %swap3A_89 = vector.load %arg5[%swap3A_87, %swap3A_88] : memref<256x1024xf32, #tpu.memory_space<vmem>>, vector<256x1024xf32>
    tpu.vector_store %arg5[%swap3A_87, %swap3A_88], %select_n3A_86 {strides = array<i32>} : memref<256x1024xf32, #tpu.memory_space<vmem>>, vector<256x1024xf32>,
    return
  }
}

</mosaic_0001>

<sc_bundles>
// kernel: kernel.4.cloned.1.call-start
scs
__scs_entry_jumppad:
0x0: {  	(pc) =	sbr.rel $0x88, $3  }
0x1: {  	(tag) =	ssettag $0x0;
	lr =	simm.s32 $0x1  }
0x2: {  	[smem:$0x3F9D] =	sst lr;
	_ =	strace $0xD0000000  }
0x3: {  	_ = 	snop  }
0x4: {  	_ = 	snop  }
0x5: {  	_ = 	snop  }
0x6: {  	_ = 	snop  }
0x7: {  	_ = 	snop  }
__scs_overlays_trampoline_lowered:
0x8: {  	[smem:$0x3FAC] =	sst s0  }
0x9: {  	[smem:$0x3FAD] =	sst s1  }
0xa: {  	[smem:$0x3FAE] =	sst s2  }
0xb: {  	[smem:$0x3FAF] =	sst s3  }
0xc: {  	[smem:$0x3FB0] =	sst s4  }
0xd: {  	[smem:$0x3FB1] =	sst s5  }
0xe: {  	[smem:$0x3FB2] =	sst s6  }
0xf: {  	[smem:$0x3FB3] =	sst s7  }
0x10: {  	[smem:$0x3FB4] =	sst s8  }
0x11: {  	[smem:$0x3FB5] =	sst s9;
	s0 =	simm.s32 @!p0 $0x0  }
0x12: {  	s1 =	sld [smem:$0x3F9B];
	s0 =	simm.s32 @p0 $0x1  }
0x13: {  	[smem:$0x3FB6] =	sst s0;
	s0 =	simm.s32 @!p1 $0x0  }
0x14: {  	s2 =	sld [smem:$0x3F9A];
	s0 =	simm.s32 @p1 $0x1  }
0x15: {  	[smem:$0x3FB7] =	sst s0;
	s0 =	simm.s32 @!p2 $0x0  }
0x16: {  	s3 =	sld [smem:$0x3FDB];
	s0 =	simm.s32 @p2 $0x1  }
0x17: {  	s4 =	simm.s32 $0x1BF5;
	[smem:$0x3FB9] =	sst s0  }
0x18: {  	s0 =	sld [smem:$0x3F9C];
	_ =	swait.ge [sflag:s4], $0x0  }
0x19: {  	s7 =	sld [smem:$0x3F9D]  }
0x1a: {  	s8 =	sadd.s32 $0xFFFFE003, lr  }
0x1b: {  	s9 =	sadd.s32 $0xFFFFFEF7, lr;
	s5 =	simm.s32 $0xFFFFFFFF;
	p2 =	slt.u32 s8, $0xFFFFF086  }
0x1c: {  	p1 =	slt.u32 s9, $0xF7A;
	s5 =	simm.s32 @!p2 $0x0  }
0x1d: {  	s5 =	simm.s32 @p1 $0x1;
	p0 =	seq.s32 s7, s2  }
0x1e: {  	s7 =	smul.u32 @!p0 $0xF7A, s2;
	p2 =	seq.s32 @!p0 s5, $0x0  }
0x1f: {  	s9 =	smul.u32 $0xF7A, s1;
	s8 =	simm.s32 @!p0 $0x1BF5;
	p2 =	por !p2, p0  }
0x20: {  	[sflag:s8] =	ssyncset.s32 @!p0 $0xFFFFF086;
	s6 =	sadd.s32 @!p0 s3, s7;
	s7 =	simm.s32 @!p0 $0x108  }
0x21: {  	s3 =	sadd.s32 s3, s9;
	s6 =	sadd.s32 @!p0 $0x88, s6;
	s7 =	simm.s32 @p2 $0x1082  }
0x22: {  	[simem:s7], [sflag:s8] =	dma.local @!p0 [hbm:s6], $0xF7A  }
0x23: {  	s9 =	sor.u32 $0xD0000000, s2;
	s6 =	simm.s32 $0x108;
	_ =	swait.ge @!p0 [sflag:s8], $0x0  }
0x24: {  	s3 =	sadd.s32 $0x88, s3;
	s6 =	simm.s32 @!p1 $0x1082;
	[sflag:s4] =	ssyncset.s32 $0xFFFFF086  }
0x25: {  	[simem:s6], [sflag:s4] =	dma.local [hbm:s3], $0xF7A  }
0x26: {  	[smem:$0x3F9D] =	sst s1;
	(tag) =	ssettag s2;
	_ =	strace s9  }
0x27: {  	s1 =	sld [smem:$0x3FAD]  }
0x28: {  	s2 =	sld [smem:$0x3FAE]  }
0x29: {  	s4 =	sld [smem:$0x3FB0]  }
0x2a: {  	p0 =	seq.s32 s5, $0x0;
	s5 =	sld [smem:$0x3FB1]  }
0x2b: {  	s6 =	sld [smem:$0x3FB2]  }
0x2c: {  	s7 =	sld [smem:$0x3FB3]  }
0x2d: {  	s3 =	simm.s32 $0x108;
	s8 =	sld [smem:$0x3FB4]  }
0x2e: {  	s3 =	simm.s32 @!p0 $0x1082;
	s9 =	sld [smem:$0x3FB5]  }
0x2f: {  	lr =	sadd.s32 s0, s3;
	s0 =	sld [smem:$0x3FAC]  }
0x30: {  	s3 =	sld [smem:$0x3FAF]  }
0x31: {  	[smem:$0x3FB8] =	sst s10  }
0x32: {  	s10 =	sld [smem:$0x3FB6];
	_ =	sdelay $0x3  }
0x33: {  	p0 =	seq.s32 s10, $0x1;
	s10 =	sld [smem:$0x3FB8];
	_ =	sdelay $0x3  }
0x34: {  	[smem:$0x3FB8] =	sst s10  }
0x35: {  	s10 =	sld [smem:$0x3FB7];
	_ =	sdelay $0x3  }
0x36: {  	p1 =	seq.s32 s10, $0x1;
	s10 =	sld [smem:$0x3FB8];
	_ =	sdelay $0x3  }
0x37: {  	[smem:$0x3FB8] =	sst s10  }
0x38: {  	s10 =	sld [smem:$0x3FB9]  }
0x39: {  	_ = 	snop;
	(pc) =	sbr.ind lr, $3  }
0x3a: {  	_ = 	snop  }
0x3b: {  	_ = 	snop  }
0x3c: {  	p2 =	seq.s32 s10, $0x1;
	s10 =	sld [smem:$0x3FB8]  }
0x3d: {  	_ =	shalt  }
0x3e: {  	_ =	shalt  }
0x3f: {  	_ =	shalt  }
0x40: {  	_ =	shalt  }
0x41: {  	_ =	shalt  }
0x42: {  	_ =	shalt  }
0x43: {  	_ =	shalt  }
0x44: {  	_ =	shalt  }
0x45: {  	_ =	shalt  }
0x46: {  	_ =	shalt  }
0x47: {  	_ =	shalt  }
0x48: {  	_ =	shalt  }
0x49: {  	_ =	shalt  }
0x4a: {  	_ =	shalt  }
0x4b: {  	_ =	shalt  }
0x4c: {  	_ =	shalt  }
0x4d: {  	_ =	shalt  }
0x4e: {  	_ =	shalt  }
0x4f: {  	_ =	shalt  }
0x50: {  	_ =	shalt  }
0x51: {  	_ =	shalt  }
0x52: {  	_ =	shalt  }
0x53: {  	_ =	shalt  }
0x54: {  	_ =	shalt  }
0x55: {  	_ =	shalt  }
0x56: {  	_ =	shalt  }
0x57: {  	_ =	shalt  }
0x58: {  	_ =	shalt  }
0x59: {  	_ =	shalt  }
0x5a: {  	_ =	shalt  }
0x5b: {  	_ =	shalt  }
0x5c: {  	_ =	shalt  }
0x5d: {  	_ =	shalt  }
0x5e: {  	_ =	shalt  }
0x5f: {  	_ =	shalt  }
0x60: {  	_ =	shalt  }
0x61: {  	_ =	shalt  }
0x62: {  	_ =	shalt  }
0x63: {  	_ =	shalt  }
0x64: {  	_ =	shalt  }
0x65: {  	_ =	shalt  }
0x66: {  	_ =	shalt  }
0x67: {  	_ =	shalt  }
0x68: {  	_ =	shalt  }
0x69: {  	_ =	shalt  }
0x6a: {  	_ =	shalt  }
0x6b: {  	_ =	shalt  }
0x6c: {  	_ =	shalt  }
0x6d: {  	_ =	shalt  }
0x6e: {  	_ =	shalt  }
0x6f: {  	_ =	shalt  }
0x70: {  	_ =	shalt  }
0x71: {  	_ =	shalt  }
0x72: {  	_ =	shalt  }
0x73: {  	_ =	shalt  }
0x74: {  	_ =	shalt  }
0x75: {  	_ =	shalt  }
0x76: {  	_ =	shalt  }
0x77: {  	_ =	shalt  }
0x78: {  	_ =	shalt  }
0x79: {  	_ =	shalt  }
0x7a: {  	_ =	shalt  }
0x7b: {  	_ =	shalt  }
0x7c: {  	_ =	shalt  }
0x7d: {  	_ =	shalt  }
0x7e: {  	_ =	shalt  }
0x7f: {  	_ =	shalt  }
0x80: {  	_ =	shalt  }
0x81: {  	_ =	shalt  }
0x82: {  	_ =	shalt  }
0x83: {  	_ =	shalt  }
0x84: {  	_ =	shalt  }
0x85: {  	_ =	shalt  }
0x86: {  	_ =	shalt  }
0x87: {  	_ =	shalt  }
.Lfunc_end0:
.L_simem_size_0:
called_computation_lowered:
.L_overlay_start_0:
0x88: {  	s2 =	sld [smem:$0x3FD9]  }
0x89: {  	s3 =	sld [smem:$0x3FFE];
	_ =	sdelay $0x1  }
0x8a: {  	s1 =	srdreg.scid  }
0x8b: {  	s0 =	sand.u32 $0x1, s1  }
0x8c: {  	s15 =	sshll.u32 s0, $0xA;
	s2 =	sadd.s32 s3, s2  }
0x8d: {  	s2 =	sadd.s32 s2, s15  }
0x8e: {  	[smem:$0x3FC4] =	sst s2  }
0x8f: {  	_ = 	snop  }
0x90: {  	s2 =	sld [smem:$0x3FD0];
	_ =	sdelay $0x2  }
0x91: {  	s4 =	simm.s32 $0xA;
	s5 =	simm.s32 $0x10;
	s16 =	sld [smem:$0x3FC6]  }
0x92: {  	[smem:s5], [sflag:s4] =	dma.local [hbm:s2], $0x1  }
0x93: {  	_ =	swait.eq [sflag:s4], $0x1  }
0x94: {  	[sflag:s4] =	ssyncset.done $0x0  }
0x95: {  	s17 =	sld [smem:$0x10];
	[sflag:s4] =	ssyncadd.s32 $0xFFFFFFFF  }
0x96: {  	s18 =	sld [smem:$0x13];
	(tm) =	ssettm $0x1  }
0x97: {  	s19 =	sld [smem:$0x3FFB];
	_ =	sdelay $0x3  }
0x98: {  	_ =	strace s19  }
0x99: {  	s5 =	sld [smem:$0x3FFC];
	_ =	sdelay $0x3  }
0x9a: {  	_ =	strace s5  }
0x9b: {  	s5 =	sld [smem:$0x3FFD];
	_ =	sdelay $0x3  }
0x9c: {  	_ =	strace s5  }
0x9d: {  	_ =	strace $0x8FFFFFFF  }
0x9e: {  	s20 =	sld [smem:$0x3FDB];
	_ =	sdelay $0x1  }
0x9f: {  	s6 =	simm.s32 $_scs_section_size  }
0xa0: {  	s7 =	simm.s32 $_size__tile_overlayer_lowered;
	s8 =	simm.s32 $_tile_overlayer_lowered  }
0xa1: {  	s23 =	simm.s32 $0x1BFF;
	s22 =	sshll.u32 s8, $0x1;
	s5 =	sadd.s32 s6, s20  }
0xa2: {  	s9 =	simm.s32 $0x0;
	s21 =	sshll.u32 s7, $0x1;
	s7 =	sadd.s32 s22, s5  }
0xa3: {  	[timem:s9], [sflag:s23] =	dma.local [hbm:s7], s21  }
0xa4: {  	_ =	swait.ge [sflag:s23], s21  }
0xa5: {  	s6 =	ssub.s32 $0x0, s21;
	[sflag:s23] =	ssyncset.done $0x0  }
0xa6: {  	[sflag:s23] =	ssyncadd.s32 s6;
	_ =	sdelay $0x1  }
0xa7: {  	s24 =	simm.s32 $0x1B8B  }
0xa8: {  	_ =	swait.ge [sflag:s24], $0x1  }
0xa9: {  	[sflag:s24] =	ssyncset.done $0x0  }
0xaa: {  	s25 =	simm.s32 $0x1B8E;
	[sflag:s24] =	ssyncadd.s32 $0xFFFFFFFF  }
0xab: {  	s26 =	simm.s32 $execute0_lowered;
	[smem:$0x3FD2] =	sst s25  }
0xac: {  	s6 =	sshll.u32 s26, $0x1;
	_ =	strace $0x80000046;
	[dreg:$0x1] =	wrdreg $0xFFFFFFFF  }
0xad: {  	s28 =	simm.s32 $_size_execute0_lowered;
	s5 =	sadd.s32 s5, s6;
	[dreg:$0x0] =	wrdreg $0x0  }
0xae: {  	s6 =	sshll.u32 s28, $0x1;
	[dreg:$0x2] =	wrdreg s5  }
0xaf: {  	[dreg:$0x3] =	wrdreg s6  }
0xb0: {  	[dreg:$0x4] =	wrdreg $0xC0  }
0xb1: {  	_ =	task [dreg:s9], $0x5FFFF  }
0xb2: {  	[dreg:$0x1] =	wrdreg $0xFFFFFFFF  }
0xb3: {  	[dreg:$0x0] =	wrdreg $0x60  }
0xb4: {  	[dreg:$0x2] =	wrdreg s17  }
0xb5: {  	[dreg:$0x3] =	wrdreg s16  }
0xb6: {  	[dreg:$0x4] =	wrdreg s18  }
0xb7: {  	[dreg:$0x5] =	wrdreg $0x9  }
0xb8: {  	_ =	task.clear_ibuf [dreg:s9], $0x6FFFF;
	_ =	strace $0x90000046  }
0xb9: {  	s29 =	simm.s32 $0x9;
	_ =	strace $0x80000048  }
0xba: {  	_ =	swait.ge [sflag:s29], $0x1  }
0xbb: {  	[sflag:s29] =	ssyncadd.s32 $0xFFFFFFFF  }
0xbc: {  	_ =	strace $0x90000048  }
0xbd: {  	_ =	sfence  }
0xbe: {  	s30 =	sld [smem:$0x0];
	_ =	sdelay $0x2  }
0xbf: {  	s31 =	sshll.u32 s1, $0xD;
	s1 =	sshrl.u32 s1, $0x2  }
0xc0: {  	s3 =	sand.u32 $0x4000, s31;
	s1 =	sadd.s32 s1, s30  }
0xc1: {  	s0 =	sor.u32 s3, s0;
	s1 =	sshll.u32 s1, $0x11  }
0xc2: {  	s0 =	sor.u32 s1, s0  }
0xc3: {  	s0 =	sadd.s32 $0x8F2B, s0  }
0xc4: {  	[sflag:s0] =	ssyncadd.remote.s32 $0x1  }
0xc5: {  	_ =	sfence.sel $0xFFFF  }
0xc6: {  	[dreg:$0x0] =	wrdreg $0xFFFFFFFF;
	(pc) =	sbr.abs _section_cstart, $3  }
0xc7: {  	[dreg:$0x1] =	wrdreg $0xFFFFFFFF  }
0xc8: {  	_ =	task.clear_ibuf [dreg:s9], $0x2FFFF;
	_ =	strace $0x9FFFFFFF  }
0xc9: {  	(tm) =	ssettm $0x7FFFFFFF  }
tec
execute0_lowered:
.L_overlay_start_1:
0x0: {  	(tag) =	ssettag $0x1  }
0x1: {  	v0 =	vimm.s32 $0xFEDCBA9;
	v1 =	vimm.s32 $0x87654321  }
0x2: {  	v3 =	vimm.s32 $0xA9876543;
	v6 =	vimm.s32 $0xCBA98765;
	v7 =	vimm.s32 $0xFEDCBA98  }
0x3: {  	v8 =	vimm.s32 $0x76543210;
	v0 =	vunpack.c.l.s4.s8 v0;
	v1 =	vunpack.c.l.s4.s8 v1  }
0x4: {  	v3 =	vunpack.c.l.s4.s8 v3;
	v6 =	vunpack.c.l.s4.s8 v6;
	v7 =	vunpack.c.l.s4.s8 v7  }
0x5: {  	v8 =	vunpack.c.l.s4.s8 v8;
	v9 =	vunpack.c.0.s8.s32 v0;
	v0 =	vimm.s32 $0x10FEDCBA  }
0x6: {  	v10 =	vunpack.c.0.s8.s32 v1;
	v14 =	vunpack.c.0.s8.s32 v3;
	v18 =	vunpack.c.0.s8.s32 v6  }
0x7: {  	v6 =	vimm.s32 $0xEDCBA987;
	v7 =	vunpack.c.0.s8.s32 v7;
	v8 =	vunpack.c.0.s8.s32 v8  }
0x8: {  	v1 =	vunpack.c.l.s4.s8 v0;
	v0 =	vimm.s32 $0x98765432;
	v6 =	vunpack.c.l.s4.s8 v6  }
0x9: {  	v2 =	vunpack.c.l.s4.s8 v0;
	v0 =	vimm.s32 $0x210FEDCB;
	v23 =	vand.u32 $0xF, v7  }
0xa: {  	v7 =	vlaneseq.u32;
	v4 =	vunpack.c.l.s4.s8 v0;
	v0 =	vcombine.low v10, v9  }
0xb: {  	v11 =	vunpack.c.0.s8.s32 v1;
	v1 =	vimm.s32 $0x3210FEDC;
	v22 =	vunpack.c.0.s8.s32 v6  }
0xc: {  	v8 =	vcombine.low v23, v8;
	v9 =	vcombine.low v9, v10;
	v12 =	vunpack.c.0.s8.s32 v2  }
0xd: {  	v3 =	vunpack.c.l.s4.s8 v1;
	v1 =	vimm.s32 $0xBA987654;
	v2 =	vimm.s32 $0x43210FED  }
0xe: {  	s0 =	rddreg [dreg:$0x0];
	v13 =	vunpack.c.0.s8.s32 v4;
	v4 =	vunpack.c.l.s4.s8 v1;
	v5 =	vunpack.c.l.s4.s8 v2  }
0xf: {  	s4 =	rddreg [dreg:$0x1];
	v1 =	vcombine.low v12, v11;
	v15 =	vunpack.c.0.s8.s32 v3;
	v3 =	vimm.s32 $0x543210FE  }
0x10: {  	s5 =	rddreg [dreg:$0x2];
	s3 =	srdreg.scid;
	v11 =	vcombine.low v11, v12;
	v16 =	vunpack.c.0.s8.s32 v4;
	v17 =	vunpack.c.0.s8.s32 v5  }
0x11: {  	s1 =	rddreg [dreg:$0x3];
	s2 =	stileid.u32;
	s10 =	simm.s32 $0x0;
	v4 =	vimm.s32 $0xDCBA9876;
	v3 =	vunpack.c.l.s4.s8 v3;
	v5 =	vimm.s32 $0x6543210F  }
0x12: {  	s6 =	sand.u32 $0x1, s3;
	s3 =	simm.s32 $0x0;
	s7 =	sshll.u32 s2, $0x6;
	v2 =	vcombine.low v14, v13;
	v4 =	vunpack.c.l.s4.s8 v4;
	v5 =	vunpack.c.l.s4.s8 v5  }
0x13: {  	s8 =	sshll.u32 s6, $0x5;
	[smem:$0x7FF] =	sst s3;
	s6 =	ssub.s32 $0x2, s6;
	v12 =	vcombine.low v13, v14;
	v19 =	vunpack.c.0.s8.s32 v3;
	v3 =	vcombine.low v16, v15  }
0x14: {  	s7 =	sor.u32 s8, s7;
	_ =	strace $0x80000047;
	s31 =	sshrl.u32 s6, $0x1;
	v14 =	vcombine.low v15, v16;
	v20 =	vunpack.c.0.s8.s32 v4;
	v21 =	vunpack.c.0.s8.s32 v5  }
0x15: {  	s8 =	simm.s32 $0x100;
	s9 =	sshrl.u32 s7, $0x3;
	v10 =	vor.u32 s7, v7;
	s7 =	sor.u32 $0x10, s7;
	v15 =	vcombine.low v17, v18;
	v4 =	vcombine.low v18, v17  }
0x16: {  	s6 =	ssub.s32 s6, s31;
	s4 =	sadd.s32 s4, s9;
	s5 =	sadd.s32 s5, s9;
	v13 =	vor.u32 s7, v7;
	v5 =	vcombine.low v20, v19;
	v6 =	vcombine.low v22, v21  }
0x17: {  	s6 =	smax.u32 s6, $0x1;
	s9 =	simm.s32 $0x180;
	s7 =	simm.s32 $0x1;
	v16 =	vimm.f32 $0.0e+00;
	v17 =	vcombine.low v19, v20;
	v18 =	vcombine.low v21, v22  }
.LBB2_1:
0x18: {  	[tilespmem:s3], [sflag:$0x1] =	stream.linear.gather [hbm4b:s0+s3], $0x100, $0x38;
	[tilespmem:$0x200] =	vst v63  }
0x19: {  	_ =	swait.ge [sflag:s7], $0x100  }
0x1a: {  	[sflag:s7] =	ssyncset.done $0x0  }
0x1b: {  	[sflag:s7] =	ssyncadd.s32 $0xFFFFFF00  }
0x1c: {  	[tilespmem:s8], [sflag:$0x1] =	stream.linear.gather [hbm4b:s4+s3], $0x20, $0x38;
	[tilespmem:$0x200] =	vst v63  }
0x1d: {  	_ =	swait.ge [sflag:s7], $0x20  }
0x1e: {  	[sflag:s7] =	ssyncset.done $0x0  }
0x1f: {  	s11 =	simm.s32 $0x0;
	[sflag:s7] =	ssyncadd.s32 $0xFFFFFFE0  }
0x20: {  	v19 =	vld [tilespmem:s11+$0x0];
	_ =	sdelay $0x4  }
0x21: {  	v20 =	vperm.xlane v19, v7  }
0x22: {  	v21 =	vperm.xlane v19, v14;
	v24 =	vperm.xlane v19, v6  }
0x23: {  	v25 =	vperm.xlane v19, v9;
	v26 =	vperm.xlane v19, v0  }
0x24: {  	v27 =	vperm.xlane v19, v2;
	v28 =	vperm.xlane v19, v3  }
0x25: {  	v29 =	vperm.xlane v19, v4;
	v30 =	vperm.xlane v19, v5  }
0x26: {  	v31 =	vperm.xlane v19, v8;
	v34 =	vperm.xlane v19, v11  }
0x27: {  	v35 =	vperm.xlane v19, v12;
	v63 =	vperm.xlane v19, v17  }
0x28: {  	vm0 =	veq.s32 v10, v20;
	vm1 =	veq.s32 v13, v20;
	v20 =	vperm.xlane v19, v1  }
0x29: {  	vm5 =	veq.s32 v13, v26;
	vm6 =	veq.s32 v10, v30;
	vm7 =	veq.s32 v10, v31  }
0x2a: {  	vm8 =	veq.s32 v13, v27;
	vm9 =	veq.s32 v10, v28;
	vm10 =	veq.s32 v10, v25  }
0x2b: {  	vm4 =	veq.s32 v10, v34;
	vm2 =	veq.s32 v10, v35;
	vm11 =	veq.s32 v10, v26  }
0x2c: {  	vm3 =	veq.s32 v10, v21;
	vm14 =	veq.s32 v13, v24;
	vm15 =	veq.s32 v13, v25  }
0x2d: {  	v22 =	vsel vm0, $0x3F800000, v16;
	v23 =	vsel vm1, $0x3F800000, v16;
	v26 =	vsel vm5, $0x3F800000, v16  }
0x2e: {  	v37 =	vsel vm6, $0x3F800000, v16;
	vm0 =	veq.s32 v10, v20;
	vm1 =	veq.s32 v13, v20  }
0x2f: {  	v20 =	vadd.f32 v23, v16;
	v32 =	vsel vm0, $0x3F800000, v16;
	vm0 =	veq.s32 v10, v27  }
0x30: {  	vm5 =	veq.s32 v10, v24;
	v22 =	vadd.f32 v22, v16;
	v33 =	vsel vm0, $0x3F800000, v16  }
0x31: {  	vm0 =	veq.s32 v10, v29;
	v26 =	vadd.f32 v26, v20;
	v20 =	vsel vm5, $0x3F800000, v16  }
0x32: {  	v36 =	vsel vm0, $0x3F800000, v16;
	vm0 =	veq.s32 v13, v28;
	v28 =	vsel vm1, $0x3F800000, v16  }
0x33: {  	vm5 =	veq.s32 v13, v29;
	v29 =	vsel vm11, $0x3F800000, v16;
	v26 =	vadd.f32 v28, v26  }
0x34: {  	v38 =	vsel vm9, $0x3F800000, v16;
	v23 =	vsel vm8, $0x3F800000, v16;
	v28 =	vadd.f32 v29, v22  }
0x35: {  	vm6 =	veq.s32 v13, v30;
	v24 =	vsel vm4, $0x3F800000, v16;
	v26 =	vadd.f32 v23, v26  }
0x36: {  	vm4 =	veq.s32 v10, v63;
	v27 =	vsel vm0, $0x3F800000, v16;
	v28 =	vadd.f32 v32, v28  }
0x37: {  	v30 =	vsel vm6, $0x3F800000, v16;
	vm1 =	veq.s32 v13, v34;
	v26 =	vadd.f32 v27, v26  }
0x38: {  	v22 =	vsel vm7, $0x3F800000, v16;
	v25 =	vadd.f32 v33, v28;
	v27 =	vsel vm5, $0x3F800000, v16  }
0x39: {  	vm7 =	veq.s32 v13, v31;
	vm0 =	veq.s32 v13, v35;
	v29 =	vadd.f32 v27, v26  }
0x3a: {  	v23 =	vsel vm10, $0x3F800000, v16;
	v28 =	vsel vm15, $0x3F800000, v16;
	v25 =	vadd.f32 v38, v25  }
0x3b: {  	v26 =	vsel vm2, $0x3F800000, v16;
	v27 =	vperm.xlane v19, v15;
	v29 =	vadd.f32 v30, v29  }
0x3c: {  	vm2 =	veq.s32 v13, v21;
	v30 =	vsel vm14, $0x3F800000, v16;
	v31 =	vadd.f32 v36, v25  }
0x3d: {  	v25 =	vsel vm3, $0x3F800000, v16;
	vm3 =	veq.s32 v10, v27;
	v62 =	vadd.f32 v30, v29  }
0x3e: {  	v21 =	vsel vm3, $0x3F800000, v16;
	v30 =	vadd.f32 v37, v31;
	v31 =	vsel vm7, $0x3F800000, v16  }
0x3f: {  	s11 =	simm.s32 $0x40;
	vm3 =	veq.s32 v13, v63;
	v29 =	vperm.xlane v19, v18;
	v31 =	vadd.f32 v31, v62  }
.LBB2_2:
0x40: {  	s12 =	sshra.s32 s11, $0x2;
	p0 =	sne.s32 s11, $0x3C0;
	s11 =	sadd.s32 $0x40, s11;
	v32 =	vsel vm1, $0x3F800000, v16  }
0x41: {  	vm1 =	veq.s32 v13, v27;
	vm5 =	veq.s32 v10, v29;
	v19 =	vld [tilespmem:s12+$0x0];
	v28 =	vadd.f32 v28, v31  }
0x42: {  	v20 =	vadd.f32 v20, v30;
	v27 =	vsel vm1, $0x3F800000, v16;
	v30 =	vsel vm5, $0x3F800000, v16  }
0x43: {  	v31 =	vsel vm4, $0x3F800000, v16;
	vm1 =	veq.s32 v13, v29;
	v28 =	vadd.f32 v32, v28  }
0x44: {  	v20 =	vadd.f32 v22, v20;
	v22 =	vsel vm0, $0x3F800000, v16;
	v29 =	vsel vm1, $0x3F800000, v16  }
0x45: {  	v32 =	vsel vm3, $0x3F800000, v16;
	v22 =	vadd.f32 v22, v28;
	v28 =	vsel vm2, $0x3F800000, v16  }
0x46: {  	v20 =	vadd.f32 v23, v20;
	v33 =	vperm.xlane v19, v7;
	v34 =	vperm.xlane v19, v14  }
0x47: {  	v35 =	vperm.xlane v19, v6;
	v36 =	vperm.xlane v19, v9;
	v22 =	vadd.f32 v28, v22  }
0x48: {  	v20 =	vadd.f32 v24, v20;
	vm0 =	veq.s32 v10, v33;
	vm1 =	veq.s32 v13, v33  }
0x49: {  	v28 =	vperm.xlane v19, v1;
	v23 =	vsel vm0, $0x3F800000, v16;
	v24 =	vsel vm1, $0x3F800000, v16  }
0x4a: {  	v33 =	vperm.xlane v19, v0;
	v20 =	vadd.f32 v26, v20;
	v22 =	vadd.f32 v27, v22  }
0x4b: {  	v26 =	vperm.xlane v19, v2;
	vm1 =	veq.s32 v10, v28;
	vm0 =	veq.s32 v13, v28  }
0x4c: {  	v27 =	vperm.xlane v19, v3;
	v28 =	vperm.xlane v19, v4;
	v22 =	vadd.f32 v32, v22  }
0x4d: {  	v37 =	vperm.xlane v19, v8;
	v20 =	vadd.f32 v25, v20;
	v32 =	vperm.xlane v19, v5  }
0x4e: {  	v25 =	vsel vm1, $0x3F800000, v16;
	vm1 =	veq.s32 v10, v26;
	v22 =	vadd.f32 v29, v22  }
0x4f: {  	vm6 =	veq.s32 v13, v33;
	vm3 =	veq.s32 v10, v28;
	v29 =	vsel vm1, $0x3F800000, v16  }
0x50: {  	v20 =	vadd.f32 v21, v20;
	vm7 =	veq.s32 v10, v32;
	vm1 =	veq.s32 v10, v37  }
0x51: {  	v38 =	vperm.xlane v19, v12;
	v21 =	vadd.f32 v24, v22;
	v24 =	vperm.xlane v19, v11  }
0x52: {  	vm5 =	veq.s32 v10, v36;
	vm8 =	veq.s32 v13, v26;
	vm9 =	veq.s32 v10, v27  }
0x53: {  	vm2 =	veq.s32 v10, v38;
	v20 =	vadd.f32 v31, v20;
	vm4 =	veq.s32 v10, v24  }
0x54: {  	vm10 =	veq.s32 v10, v33;
	v31 =	vsel vm3, $0x3F800000, v16;
	vm3 =	veq.s32 v10, v34  }
0x55: {  	v26 =	vsel vm8, $0x3F800000, v16;
	vm8 =	veq.s32 v13, v27;
	v22 =	vadd.f32 v30, v20  }
0x56: {  	v20 =	vsel vm6, $0x3F800000, v16;
	v30 =	vsel vm7, $0x3F800000, v16;
	vm6 =	veq.s32 v10, v35  }
0x57: {  	v27 =	vsel vm8, $0x3F800000, v16;
	v21 =	vadd.f32 v20, v21;
	v20 =	vsel vm6, $0x3F800000, v16  }
0x58: {  	vm7 =	veq.s32 v13, v28;
	v22 =	vadd.f32 v23, v22;
	v23 =	vsel vm0, $0x3F800000, v16  }
0x59: {  	v33 =	vsel vm9, $0x3F800000, v16;
	v28 =	vsel vm10, $0x3F800000, v16;
	v21 =	vadd.f32 v23, v21  }
0x5a: {  	vm8 =	veq.s32 v13, v32;
	v23 =	vadd.f32 v28, v22;
	v22 =	vsel vm1, $0x3F800000, v16  }
0x5b: {  	vm6 =	veq.s32 v13, v37;
	vm1 =	veq.s32 v13, v24;
	v21 =	vadd.f32 v26, v21  }
0x5c: {  	vm0 =	veq.s32 v13, v38;
	v24 =	vadd.f32 v25, v23;
	v23 =	vsel vm5, $0x3F800000, v16  }
0x5d: {  	vm9 =	veq.s32 v13, v36;
	vm5 =	veq.s32 v13, v35;
	v21 =	vadd.f32 v27, v21  }
0x5e: {  	v26 =	vsel vm7, $0x3F800000, v16;
	v25 =	vadd.f32 v29, v24;
	v24 =	vsel vm4, $0x3F800000, v16  }
0x5f: {  	v28 =	vsel vm9, $0x3F800000, v16;
	v29 =	vsel vm8, $0x3F800000, v16;
	v21 =	vadd.f32 v26, v21  }
0x60: {  	v27 =	vperm.xlane v19, v15;
	v26 =	vsel vm2, $0x3F800000, v16;
	v25 =	vadd.f32 v33, v25  }
.Ltmp0:
0x61: {  	vm2 =	veq.s32 v13, v34;
	v21 =	vadd.f32 v29, v21;
	v29 =	vsel vm5, $0x3F800000, v16;
	(pc) =	sbr.rel @p0 .LBB2_2-.Ltmp0, $4  }
0x62: {  	v31 =	vadd.f32 v31, v25;
	v25 =	vsel vm3, $0x3F800000, v16;
	vm3 =	veq.s32 v10, v27  }
0x63: {  	v33 =	vperm.xlane v19, v17;
	v32 =	vadd.f32 v29, v21;
	v21 =	vsel vm3, $0x3F800000, v16  }
0x64: {  	v29 =	vperm.xlane v19, v18;
	v30 =	vadd.f32 v30, v31;
	v31 =	vsel vm6, $0x3F800000, v16  }
0x65: {  	vm4 =	veq.s32 v10, v33;
	vm3 =	veq.s32 v13, v33;
	v31 =	vadd.f32 v31, v32  }
0x66: {  	v19 =	vadd.f32 v20, v30;
	_ =	sdelay $0x1  }
0x67: {  	v19 =	vadd.f32 v22, v19  }
0x68: {  	v20 =	vadd.f32 v28, v31  }
0x69: {  	v54 =	vsel vm1, $0x3F800000, v16;
	v19 =	vadd.f32 v23, v19  }
0x6a: {  	v20 =	vadd.f32 v54, v20  }
0x6b: {  	v55 =	vsel vm0, $0x3F800000, v16;
	v19 =	vadd.f32 v24, v19  }
0x6c: {  	v20 =	vadd.f32 v55, v20  }
0x6d: {  	v56 =	vsel vm2, $0x3F800000, v16;
	v19 =	vadd.f32 v26, v19  }
0x6e: {  	vm13 =	veq.s32 v13, v27;
	v20 =	vadd.f32 v56, v20  }
0x6f: {  	v57 =	vsel vm13, $0x3F800000, v16;
	v19 =	vadd.f32 v25, v19  }
0x70: {  	v20 =	vadd.f32 v57, v20  }
0x71: {  	v60 =	vsel vm3, $0x3F800000, v16;
	v61 =	vld [tilespmem:$0x110];
	v19 =	vadd.f32 v21, v19  }
0x72: {  	v58 =	vsel vm4, $0x3F800000, v16;
	v59 =	vld [tilespmem:$0x100];
	vm15 =	veq.s32 v13, v29;
	v20 =	vadd.f32 v60, v20  }
0x73: {  	vm14 =	veq.s32 v10, v29;
	v63 =	vsel vm15, $0x3F800000, v16;
	v19 =	vadd.f32 v58, v19  }
0x74: {  	v62 =	vsel vm14, $0x3F800000, v16;
	v20 =	vadd.f32 v63, v20  }
0x75: {  	v19 =	vadd.f32 v62, v19  }
0x76: {  	v20 =	vadd.f32 v61, v20  }
0x77: {  	s10 =	sadd.s32 $0x1, s10;
	v19 =	vadd.f32 v59, v19  }
0x78: {  	p0 =	sne.s32 s10, s6;
	[tilespmem:$0x190] =	vst v20  }
.Ltmp1:
0x79: {  	[tilespmem:$0x180] =	vst v19;
	(pc) =	sbr.rel @p0 .LBB2_1-.Ltmp1, $4  }
0x7a: {  	[hbm4b:s5+s3] =	stream.linear.scatter [tilespmem:s9], [sflag:$0x1], $0x20, $0x38;
	[tilespmem:$0x200] =	vst v63  }
0x7b: {  	_ =	swait.ge [sflag:s7], $0x20  }
0x7c: {  	[sflag:s7] =	ssyncset.done $0x0  }
0x7d: {  	[sflag:s7] =	ssyncadd.s32 $0xFFFFFFE0  }
0x7e: {  	_ =	sfence.sel $0x180000  }
0x7f: {  	[bflag:$0x0] =	sbarrier.arrive $0xFFFF  }
0x80: {  	p0 =	sne.s32 s2, $0x0;
	_ =	strace $0x90000047  }
0x81: {  	s0 =	sadd.s32 @!p0 $0x100000, s1;
	[bflag:$0x2] =	sbarrier.arrive $0xFFFF  }
0x82: {  	[sflag:s0] =	ssyncadd.tile.s32 @!p0 $0x1;
	_ =	shalt  }
.Lfunc_end2:
_tile_overlayer_lowered:
.L_overlay_start_2:
0x83: {  	(tag) =	ssettag $0x2  }
0x84: {  	s0 =	rddreg [dreg:$0x0];
	s2 =	stileid.u32  }
0x85: {  	s1 =	rddreg [dreg:$0x1];
	p0 =	sne.s32 s2, $0x0  }
0x86: {  	s3 =	rddreg [dreg:$0x2];
	[bflag:$0x3] =	sbarrier.arrive $0xFFFF;
	s2 =	simm.s32 @!p0 $0x1C01  }
0x87: {  	[timem:s3], [sflag:s2] =	dma.local @!p0 [hbm:s0], s1  }
0x88: {  	s0 =	simm.s32 @!p0 $0x1  }
0x89: {  	_ =	swait.ge @!p0 [sflag:s0], s1  }
0x8a: {  	s1 =	ssub.s32 @!p0 $0x0, s1;
	[sflag:s0] =	ssyncset.done @!p0 $0x0  }
0x8b: {  	[sflag:s0] =	ssyncadd.s32 @!p0 s1  }
0x8c: {  	[bflag:$0x3] =	sbarrier.arrive $0xFFFF  }
0x8d: {  	_ =	shalt  }

</sc_bundles>
